<compile_context>
chip_gen: v7x
topology: tpu7x:2x2x1
jax: 0.10.2.dev20260603
libtpu: 0.0.44.dev20260713+nightly
codegen_flags: <defaults>
</compile_context>

<pallas_src>
import functools

import jax
import jax.numpy as jnp
from jax import lax
from jax.experimental import pallas as pl
from jax.experimental.pallas import tpu as pltpu
from jax.experimental.pallas import tpu_sc as plsc

NC = 2
NS = 16
L = 16
NW = NC * NS

_MESH = plsc.VectorSubcoreMesh(
    core_axis_name="c", subcore_axis_name="s", num_cores=NC, num_subcores=NS)
_SC_PARAMS = pltpu.CompilerParams(
    needs_layout_passes=False, use_tc_tiling_on_sc=False)


def _zero2d(ref):
  z = jnp.zeros((L,), ref.dtype)
  for r in range(ref.shape[0]):
    ref[r] = z


def _wid():
  return lax.axis_index("s") * NC + lax.axis_index("c")


def _label_pack_kernel(edge_index1, x1_batch, *, n1, e1, n_tiles):
  per_tile = e1 // n_tiles
  words_pt = per_tile // 4
  n_groups = words_pt // L

  @functools.partial(
      pl.kernel,
      out_type=[
          jax.ShapeDtypeStruct((e1 // 4,), jnp.int32),
          jax.ShapeDtypeStruct((n_tiles, L, L), jnp.int32),
      ],
      mesh=_MESH,
      scratch_types=[
          pltpu.VMEM((n1,), jnp.int32),
          pltpu.VMEM((per_tile,), jnp.int32),
          pltpu.VMEM((words_pt,), jnp.int32),
          pltpu.VMEM((L, L), jnp.int32),
      ],
      compiler_params=_SC_PARAMS,
  )
  def body(ei1_hbm, x1b_hbm, packed_hbm, nh_hbm, x1b_v, d1_v, pk_v, nh_v):
    wid = _wid()

    @pl.when(wid < n_tiles)
    def _():
      pltpu.sync_copy(x1b_hbm, x1b_v)
      pltpu.sync_copy(ei1_hbm.at[1, pl.ds(wid * per_tile, per_tile)], d1_v)
      _zero2d(nh_v)
      iota = lax.iota(jnp.int32, L)
      ones = jnp.ones((L,), jnp.int32)

      def grp(w0, carry):
        acc = jnp.zeros((L,), jnp.int32)
        for p in range(4):
          e_idx = (w0 * L + iota) * 4 + p
          node = plsc.load_gather(d1_v, [e_idx])
          lab = plsc.load_gather(x1b_v, [node])
          plsc.addupdate_scatter(nh_v, [lab, iota], ones)
          acc = acc | (lab << (8 * p))
        pk_v[pl.ds(w0 * L, L)] = acc
        return carry

      lax.fori_loop(0, n_groups, grp, 0)
      pltpu.sync_copy(pk_v, packed_hbm.at[pl.ds(wid * words_pt, words_pt)])
      pltpu.sync_copy(nh_v, nh_hbm.at[wid])

  return body(edge_index1, x1_batch)


def _accum_kernel(edge_index2, packed, attr_t, *, e2, d2, chunk):
  per_tile = e2 // NW
  n_chunks = per_tile // chunk
  n_groups = chunk // L
  n_words = packed.shape[0]

  assert n_chunks % 2 == 0

  @functools.partial(
      pl.kernel,
      out_type=[
          jax.ShapeDtypeStruct((NW, d2, L), jnp.float32),
          jax.ShapeDtypeStruct((NW, L, L), jnp.int32),
      ],
      mesh=_MESH,
      scratch_types=[
          pltpu.VMEM((n_words,), jnp.int32),
          pltpu.VMEM((2, chunk), jnp.int32),
          pltpu.VMEM((2, d2, chunk), jnp.float32),
          pltpu.VMEM((d2, L), jnp.float32),
          pltpu.VMEM((L, L), jnp.int32),
          pltpu.SemaphoreType.DMA,
          pltpu.SemaphoreType.DMA,
      ],
      compiler_params=_SC_PARAMS,
  )
  def body(ei2_hbm, packed_hbm, attr_hbm, a_hbm, mh_hbm,
           pk_v, d2_v, rows_v, a_v, mh_v, sem_in0, sem_in1):
    cid = lax.axis_index("c")
    sid = lax.axis_index("s")
    wid = sid * NC + cid
    base = wid * per_tile
    sem_in = (sem_in0, sem_in1)

    def start_in(c, b):
      off = base + c * chunk
      pltpu.async_copy(ei2_hbm.at[1, pl.ds(off, chunk)], d2_v.at[b], sem_in[b])
      pltpu.async_copy(attr_hbm.at[:, pl.ds(off, chunk)], rows_v.at[b],
                       sem_in[b])

    def wait_in(b):
      pltpu.make_async_copy(ei2_hbm.at[1, pl.ds(0, chunk)], d2_v.at[b],
                            sem_in[b]).wait()
      pltpu.make_async_copy(attr_hbm.at[:, pl.ds(0, chunk)], rows_v.at[b],
                            sem_in[b]).wait()

    pltpu.sync_copy(packed_hbm, pk_v)
    _zero2d(a_v)
    _zero2d(mh_v)
    iota = lax.iota(jnp.int32, L)
    ones = jnp.ones((L,), jnp.int32)
    start_in(0, 0)

    def consume(c, b, prefetch):
      wait_in(b)

      @pl.when(prefetch)
      def _():
        start_in(c + 1, 1 - b)

      def grp(g, carry2):
        e1 = d2_v[b, pl.ds(g * L, L)]
        word = plsc.load_gather(pk_v, [e1 >> 2])
        lab = (word >> ((e1 & 3) << 3)) & 0xFF
        plsc.addupdate_scatter(mh_v, [lab, iota], ones)
        for f in range(d2):
          vals = rows_v[b, f, pl.ds(g * L, L)]
          plsc.addupdate_scatter(a_v, [jnp.full((L,), f, jnp.int32), lab],
                                 vals)
        return carry2

      lax.fori_loop(0, n_groups, grp, 0)

    def pair(i, carry):
      consume(2 * i, 0, jnp.bool_(True))
      consume(2 * i + 1, 1, i < n_chunks // 2 - 1)
      return carry

    lax.fori_loop(0, n_chunks // 2, pair, 0)
    pltpu.sync_copy(a_v, a_hbm.at[wid])
    pltpu.sync_copy(mh_v, mh_hbm.at[wid])

  return body(edge_index2, packed, attr_t)


def _epilogue(a_part, nh, mh, w1, b1, w2, b2, *, b, d1, d2):
  def body(a_ref, nh_ref, mh_ref, w1_ref, b1_ref, w2_ref, b2_ref, out_ref):
    a_fb = jnp.sum(a_ref[...], axis=0)
    n = jnp.sum(nh_ref[...], axis=(0, 2)).astype(jnp.float32)
    m = jnp.sum(mh_ref[...], axis=(0, 2)).astype(jnp.float32)
    t = (lax.dot_general(a_fb, w2_ref[...], (((0,), (0,)), ((), ())),
                         preferred_element_type=jnp.float32)
         + m[:, None] * b2_ref[...])
    out = (jnp.dot(t, w1_ref[...], preferred_element_type=jnp.float32)
           + n[:, None] * b1_ref[...])
    out_ref[...] = out * 0.5

  return pl.pallas_call(
      body,
      out_shape=jax.ShapeDtypeStruct((b, d1), jnp.float32),
  )(a_part, nh, mh, w1, b1.reshape(1, d1), w2, b2.reshape(1, d2))


def kernel(x1, x2, edge_index1, edge_index2, x1_batch, x2_batch,
           edge_attr1, edge_attr2, W_mlp, b_mlp, W_mlp2, b_mlp2):
  n1 = x1.shape[0]
  e1 = x2.shape[0]
  e2 = edge_attr2.shape[0]
  d2 = edge_attr2.shape[1]
  d1 = W_mlp.shape[1]
  b = 16

  packed, nh = _label_pack_kernel(edge_index1, x1_batch, n1=n1, e1=e1,
                                  n_tiles=20)
  a_part, mh = _accum_kernel(edge_index2, packed, edge_attr2.T, e2=e2, d2=d2,
                             chunk=800)
  return _epilogue(a_part, nh, mh, W_mlp, b_mlp, W_mlp2, b_mlp2,
                   b=b, d1=d1, d2=d2)

# --- scband reference (transcript-rebuilt; emitter-appended) ---
"""Pipeline reference for scband-mof-net-27230092657067 (READ-ONLY COPY).

The authoritative reference and input builder live on the scoring server;
editing this copy changes nothing except your own understanding.
"""

import jax, jax.numpy as jnp
import numpy as np

N1 = 10000
E1 = 320000
E2 = 1280000
D1 = 128
D2 = 16
B = 16


def setup_inputs(seed: int = 0):
    key = jax.random.key(seed)
    ks = jax.random.split(key, 12)
    x1 = jax.random.normal(ks[0], (N1, D1), dtype=jnp.float32)
    x2 = jax.random.normal(ks[1], (E1, D2), dtype=jnp.float32)
    edge_index1 = jax.random.randint(ks[2], (2, E1), 0, N1, dtype=jnp.int32)
    edge_index2 = jax.random.randint(ks[3], (2, E2), 0, E1, dtype=jnp.int32)
    x1_batch = jnp.sort(jax.random.randint(ks[4], (N1,), 0, B, dtype=jnp.int32))
    x2_batch = jnp.sort(jax.random.randint(ks[5], (E1,), 0, B, dtype=jnp.int32))
    edge_attr1 = jax.random.normal(ks[6], (E1, D2), dtype=jnp.float32)
    edge_attr2 = jax.random.normal(ks[7], (E2, D2), dtype=jnp.float32)
    # learned params: mlp = Linear(16 -> 128) used by MOLGCN (conv), mlp2 = Linear(16 -> 16) used by DGCN (conv2)
    W_mlp = jax.random.normal(ks[8], (D2, D1), dtype=jnp.float32) * (1.0 / np.sqrt(D2))
    b_mlp = jnp.zeros((D1,), dtype=jnp.float32)
    W_mlp2 = jax.random.normal(ks[9], (D2, D2), dtype=jnp.float32) * (1.0 / np.sqrt(D2))
    b_mlp2 = jnp.zeros((D2,), dtype=jnp.float32)
    return {
        "x1": x1, "x2": x2,
        "edge_index1": edge_index1, "edge_index2": edge_index2,
        "x1_batch": x1_batch, "x2_batch": x2_batch,
        "edge_attr1": edge_attr1, "edge_attr2": edge_attr2,
        "W_mlp": W_mlp, "b_mlp": b_mlp, "W_mlp2": W_mlp2, "b_mlp2": b_mlp2,
    }


def reference(x1, x2, edge_index1, edge_index2, x1_batch, x2_batch, edge_attr1, edge_attr2, W_mlp, b_mlp, W_mlp2, b_mlp2):
    # DGCN (conv2) on line graph: message = mlp2(edge_attr2), sum-aggregate at dst nodes of graph2
    dst2 = edge_index2[1]
    msg2 = edge_attr2 @ W_mlp2 + b_mlp2                      # [E2, 16]
    e_t = jax.ops.segment_sum(msg2, dst2, num_segments=x2.shape[0])  # [N2=E1, 16]
    # MOLGCN (conv) on graph1: per-edge feature is e_t (one row per edge of graph1)
    dst1 = edge_index1[1]
    msg1 = e_t @ W_mlp + b_mlp                               # [E1, 128]
    h1 = jax.ops.segment_sum(msg1, dst1, num_segments=x1.shape[0])   # [N1, 128]
    # gaddp: global add pool over graph batch assignment
    pooled = jax.ops.segment_sum(h1, x1_batch, num_segments=B)       # [B, 128]
    return jnp.squeeze(pooled) / 2

if __name__ == "__main__":
    import jax
    _d = setup_inputs()
    print(jax.jit(kernel)(*tuple(_d.values())))

</pallas_src>

<mosaic_0001>
#map = affine_map<(d0, d1) -> (0, 0)>
#map1 = affine_map<(d0, d1) -> (0)>
#map2 = affine_map<(d0, d1) -> (0, 0, 0)>
module attributes {stable_mosaic.version = 14 : i64} {
  func.func @body(%arg0: i32, %arg1: i32, %arg2: memref<2x1280000xi32, #tpu.memory_space<hbm>>, %arg3: memref<80000xi32, #tpu.memory_space<hbm>>, %arg4: memref<16x1280000xf32, #tpu.memory_space<hbm>>, %arg5: memref<32x16x16xf32, #tpu.memory_space<hbm>>, %arg6: memref<32x16x16xi32, #tpu.memory_space<hbm>>, %arg7: memref<80000xi32, #tpu.memory_space<vmem>>, %arg8: memref<2x800xi32, #tpu.memory_space<vmem>>, %arg9: memref<2x16x800xf32, #tpu.memory_space<vmem>>, %arg10: memref<16x16xf32, #tpu.memory_space<vmem>>, %arg11: memref<16x16xi32, #tpu.memory_space<vmem>>, %arg12: memref<!tpu.dma_semaphore, #tpu.memory_space<semaphore_mem>>, %arg13: memref<!tpu.dma_semaphore, #tpu.memory_space<semaphore_mem>>) attributes {dimension_semantics = [#tpu.dimension_semantics<core_parallel>, #tpu.dimension_semantics<subcore_parallel>], iteration_bounds = array<i64: 2, 16>, scalar_prefetch = 0 : i64, scratch_operands = 7 : i64, tpu.core_type = #tpu.core_type<sc_vector_subcore>, window_params = [{transform_indices = #map}, {transform_indices = #map1}, {transform_indices = #map}, {transform_indices = #map2}, {transform_indices = #map2}]} {
    %mul3A = arith.constant 2 : i32
    %mul3A_0 = arith.muli %arg1, %mul3A : i32
    %add3A = arith.addi %mul3A_0, %arg0 : i32
    %mul3A_1 = arith.constant 40000 : i32
    %mul3A_2 = arith.muli %add3A, %mul3A_1 : i32
    "tpu.region"() ({
      %run_scoped3A = tpu.sem_alloc : memref<!tpu.dma_semaphore, #tpu.memory_space<semaphore_mem>>
      tpu.enqueue_dma source(%arg3 : memref<80000xi32, #tpu.memory_space<hbm>>) target(%arg7 : memref<80000xi32, #tpu.memory_space<vmem>>) target_semaphore(%run_scoped3A : memref<!tpu.dma_semaphore, #tpu.memory_space<semaphore_mem>>)
      tpu.wait_dma2 semaphore(%run_scoped3A : memref<!tpu.dma_semaphore, #tpu.memory_space<semaphore_mem>>) src(%arg3 : memref<80000xi32, #tpu.memory_space<hbm>>) dst(%arg7 : memref<80000xi32, #tpu.memory_space<vmem>>)
      tpu.yield
    }) : () -> ()
    %broadcast_in_dim3A = arith.constant 0.000000e+00 : f32
    %broadcast_in_dim3A_3 = vector.broadcast %broadcast_in_dim3A : f32 to vector<16xf32>
    %swap3A = arith.constant 0 : i32
    %swap3A_4 = arith.index_cast %swap3A : i32 to index
    %swap3A_5 = arith.constant 0 : index
    %swap3A_6 = tpu.vector_load %arg10[%swap3A_4, %swap3A_5] {strides = array<i32>} : memref<16x16xf32, #tpu.memory_space<vmem>>, vector<16xf32>,
    tpu.vector_store %arg10[%swap3A_4, %swap3A_5], %broadcast_in_dim3A_3 {strides = array<i32>} : memref<16x16xf32, #tpu.memory_space<vmem>>, vector<16xf32>,
    %swap3A_7 = arith.constant 1 : i32
    %swap3A_8 = arith.index_cast %swap3A_7 : i32 to index
    %swap3A_9 = arith.constant 0 : index
    %swap3A_10 = tpu.vector_load %arg10[%swap3A_8, %swap3A_9] {strides = array<i32>} : memref<16x16xf32, #tpu.memory_space<vmem>>, vector<16xf32>,
    tpu.vector_store %arg10[%swap3A_8, %swap3A_9], %broadcast_in_dim3A_3 {strides = array<i32>} : memref<16x16xf32, #tpu.memory_space<vmem>>, vector<16xf32>,
    %swap3A_11 = arith.constant 2 : i32
    %swap3A_12 = arith.index_cast %swap3A_11 : i32 to index
    %swap3A_13 = arith.constant 0 : index
    %swap3A_14 = tpu.vector_load %arg10[%swap3A_12, %swap3A_13] {strides = array<i32>} : memref<16x16xf32, #tpu.memory_space<vmem>>, vector<16xf32>,
    tpu.vector_store %arg10[%swap3A_12, %swap3A_13], %broadcast_in_dim3A_3 {strides = array<i32>} : memref<16x16xf32, #tpu.memory_space<vmem>>, vector<16xf32>,
    %swap3A_15 = arith.constant 3 : i32
    %swap3A_16 = arith.index_cast %swap3A_15 : i32 to index
    %swap3A_17 = arith.constant 0 : index
    %swap3A_18 = tpu.vector_load %arg10[%swap3A_16, %swap3A_17] {strides = array<i32>} : memref<16x16xf32, #tpu.memory_space<vmem>>, vector<16xf32>,
    tpu.vector_store %arg10[%swap3A_16, %swap3A_17], %broadcast_in_dim3A_3 {strides = array<i32>} : memref<16x16xf32, #tpu.memory_space<vmem>>, vector<16xf32>,
    %swap3A_19 = arith.constant 4 : i32
    %swap3A_20 = arith.index_cast %swap3A_19 : i32 to index
    %swap3A_21 = arith.constant 0 : index
    %swap3A_22 = tpu.vector_load %arg10[%swap3A_20, %swap3A_21] {strides = array<i32>} : memref<16x16xf32, #tpu.memory_space<vmem>>, vector<16xf32>,
    tpu.vector_store %arg10[%swap3A_20, %swap3A_21], %broadcast_in_dim3A_3 {strides = array<i32>} : memref<16x16xf32, #tpu.memory_space<vmem>>, vector<16xf32>,
    %swap3A_23 = arith.constant 5 : i32
    %swap3A_24 = arith.index_cast %swap3A_23 : i32 to index
    %swap3A_25 = arith.constant 0 : index
    %swap3A_26 = tpu.vector_load %arg10[%swap3A_24, %swap3A_25] {strides = array<i32>} : memref<16x16xf32, #tpu.memory_space<vmem>>, vector<16xf32>,
    tpu.vector_store %arg10[%swap3A_24, %swap3A_25], %broadcast_in_dim3A_3 {strides = array<i32>} : memref<16x16xf32, #tpu.memory_space<vmem>>, vector<16xf32>,
    %swap3A_27 = arith.constant 6 : i32
    %swap3A_28 = arith.index_cast %swap3A_27 : i32 to index
    %swap3A_29 = arith.constant 0 : index
    %swap3A_30 = tpu.vector_load %arg10[%swap3A_28, %swap3A_29] {strides = array<i32>} : memref<16x16xf32, #tpu.memory_space<vmem>>, vector<16xf32>,
    tpu.vector_store %arg10[%swap3A_28, %swap3A_29], %broadcast_in_dim3A_3 {strides = array<i32>} : memref<16x16xf32, #tpu.memory_space<vmem>>, vector<16xf32>,
    %swap3A_31 = arith.constant 7 : i32
    %swap3A_32 = arith.index_cast %swap3A_31 : i32 to index
    %swap3A_33 = arith.constant 0 : index
    %swap3A_34 = tpu.vector_load %arg10[%swap3A_32, %swap3A_33] {strides = array<i32>} : memref<16x16xf32, #tpu.memory_space<vmem>>, vector<16xf32>,
    tpu.vector_store %arg10[%swap3A_32, %swap3A_33], %broadcast_in_dim3A_3 {strides = array<i32>} : memref<16x16xf32, #tpu.memory_space<vmem>>, vector<16xf32>,
    %swap3A_35 = arith.constant 8 : i32
    %swap3A_36 = arith.index_cast %swap3A_35 : i32 to index
    %swap3A_37 = arith.constant 0 : index
    %swap3A_38 = tpu.vector_load %arg10[%swap3A_36, %swap3A_37] {strides = array<i32>} : memref<16x16xf32, #tpu.memory_space<vmem>>, vector<16xf32>,
    tpu.vector_store %arg10[%swap3A_36, %swap3A_37], %broadcast_in_dim3A_3 {strides = array<i32>} : memref<16x16xf32, #tpu.memory_space<vmem>>, vector<16xf32>,
    %swap3A_39 = arith.constant 9 : i32
    %swap3A_40 = arith.index_cast %swap3A_39 : i32 to index
    %swap3A_41 = arith.constant 0 : index
    %swap3A_42 = tpu.vector_load %arg10[%swap3A_40, %swap3A_41] {strides = array<i32>} : memref<16x16xf32, #tpu.memory_space<vmem>>, vector<16xf32>,
    tpu.vector_store %arg10[%swap3A_40, %swap3A_41], %broadcast_in_dim3A_3 {strides = array<i32>} : memref<16x16xf32, #tpu.memory_space<vmem>>, vector<16xf32>,
    %swap3A_43 = arith.constant 10 : i32
    %swap3A_44 = arith.index_cast %swap3A_43 : i32 to index
    %swap3A_45 = arith.constant 0 : index
    %swap3A_46 = tpu.vector_load %arg10[%swap3A_44, %swap3A_45] {strides = array<i32>} : memref<16x16xf32, #tpu.memory_space<vmem>>, vector<16xf32>,
    tpu.vector_store %arg10[%swap3A_44, %swap3A_45], %broadcast_in_dim3A_3 {strides = array<i32>} : memref<16x16xf32, #tpu.memory_space<vmem>>, vector<16xf32>,
    %swap3A_47 = arith.constant 11 : i32
    %swap3A_48 = arith.index_cast %swap3A_47 : i32 to index
    %swap3A_49 = arith.constant 0 : index
    %swap3A_50 = tpu.vector_load %arg10[%swap3A_48, %swap3A_49] {strides = array<i32>} : memref<16x16xf32, #tpu.memory_space<vmem>>, vector<16xf32>,
    tpu.vector_store %arg10[%swap3A_48, %swap3A_49], %broadcast_in_dim3A_3 {strides = array<i32>} : memref<16x16xf32, #tpu.memory_space<vmem>>, vector<16xf32>,
    %swap3A_51 = arith.constant 12 : i32
    %swap3A_52 = arith.index_cast %swap3A_51 : i32 to index
    %swap3A_53 = arith.constant 0 : index
    %swap3A_54 = tpu.vector_load %arg10[%swap3A_52, %swap3A_53] {strides = array<i32>} : memref<16x16xf32, #tpu.memory_space<vmem>>, vector<16xf32>,
    tpu.vector_store %arg10[%swap3A_52, %swap3A_53], %broadcast_in_dim3A_3 {strides = array<i32>} : memref<16x16xf32, #tpu.memory_space<vmem>>, vector<16xf32>,
    %swap3A_55 = arith.constant 13 : i32
    %swap3A_56 = arith.index_cast %swap3A_55 : i32 to index
    %swap3A_57 = arith.constant 0 : index
    %swap3A_58 = tpu.vector_load %arg10[%swap3A_56, %swap3A_57] {strides = array<i32>} : memref<16x16xf32, #tpu.memory_space<vmem>>, vector<16xf32>,
    tpu.vector_store %arg10[%swap3A_56, %swap3A_57], %broadcast_in_dim3A_3 {strides = array<i32>} : memref<16x16xf32, #tpu.memory_space<vmem>>, vector<16xf32>,
    %swap3A_59 = arith.constant 14 : i32
    %swap3A_60 = arith.index_cast %swap3A_59 : i32 to index
    %swap3A_61 = arith.constant 0 : index
    %swap3A_62 = tpu.vector_load %arg10[%swap3A_60, %swap3A_61] {strides = array<i32>} : memref<16x16xf32, #tpu.memory_space<vmem>>, vector<16xf32>,
    tpu.vector_store %arg10[%swap3A_60, %swap3A_61], %broadcast_in_dim3A_3 {strides = array<i32>} : memref<16x16xf32, #tpu.memory_space<vmem>>, vector<16xf32>,
    %swap3A_63 = arith.constant 15 : i32
    %swap3A_64 = arith.index_cast %swap3A_63 : i32 to index
    %swap3A_65 = arith.constant 0 : index
    %swap3A_66 = tpu.vector_load %arg10[%swap3A_64, %swap3A_65] {strides = array<i32>} : memref<16x16xf32, #tpu.memory_space<vmem>>, vector<16xf32>,
    tpu.vector_store %arg10[%swap3A_64, %swap3A_65], %broadcast_in_dim3A_3 {strides = array<i32>} : memref<16x16xf32, #tpu.memory_space<vmem>>, vector<16xf32>,
    %broadcast_in_dim3A_67 = arith.constant 0 : i32
    %broadcast_in_dim3A_68 = vector.broadcast %broadcast_in_dim3A_67 : i32 to vector<16xi32>
    %swap3A_69 = arith.constant 0 : i32
    %swap3A_70 = arith.index_cast %swap3A_69 : i32 to index
    %swap3A_71 = arith.constant 0 : index
    %swap3A_72 = tpu.vector_load %arg11[%swap3A_70, %swap3A_71] {strides = array<i32>} : memref<16x16xi32, #tpu.memory_space<vmem>>, vector<16xi32>,
    tpu.vector_store %arg11[%swap3A_70, %swap3A_71], %broadcast_in_dim3A_68 {strides = array<i32>} : memref<16x16xi32, #tpu.memory_space<vmem>>, vector<16xi32>,
    %swap3A_73 = arith.constant 1 : i32
    %swap3A_74 = arith.index_cast %swap3A_73 : i32 to index
    %swap3A_75 = arith.constant 0 : index
    %swap3A_76 = tpu.vector_load %arg11[%swap3A_74, %swap3A_75] {strides = array<i32>} : memref<16x16xi32, #tpu.memory_space<vmem>>, vector<16xi32>,
    tpu.vector_store %arg11[%swap3A_74, %swap3A_75], %broadcast_in_dim3A_68 {strides = array<i32>} : memref<16x16xi32, #tpu.memory_space<vmem>>, vector<16xi32>,
    %swap3A_77 = arith.constant 2 : i32
    %swap3A_78 = arith.index_cast %swap3A_77 : i32 to index
    %swap3A_79 = arith.constant 0 : index
    %swap3A_80 = tpu.vector_load %arg11[%swap3A_78, %swap3A_79] {strides = array<i32>} : memref<16x16xi32, #tpu.memory_space<vmem>>, vector<16xi32>,
    tpu.vector_store %arg11[%swap3A_78, %swap3A_79], %broadcast_in_dim3A_68 {strides = array<i32>} : memref<16x16xi32, #tpu.memory_space<vmem>>, vector<16xi32>,
    %swap3A_81 = arith.constant 3 : i32
    %swap3A_82 = arith.index_cast %swap3A_81 : i32 to index
    %swap3A_83 = arith.constant 0 : index
    %swap3A_84 = tpu.vector_load %arg11[%swap3A_82, %swap3A_83] {strides = array<i32>} : memref<16x16xi32, #tpu.memory_space<vmem>>, vector<16xi32>,
    tpu.vector_store %arg11[%swap3A_82, %swap3A_83], %broadcast_in_dim3A_68 {strides = array<i32>} : memref<16x16xi32, #tpu.memory_space<vmem>>, vector<16xi32>,
    %swap3A_85 = arith.constant 4 : i32
    %swap3A_86 = arith.index_cast %swap3A_85 : i32 to index
    %swap3A_87 = arith.constant 0 : index
    %swap3A_88 = tpu.vector_load %arg11[%swap3A_86, %swap3A_87] {strides = array<i32>} : memref<16x16xi32, #tpu.memory_space<vmem>>, vector<16xi32>,
    tpu.vector_store %arg11[%swap3A_86, %swap3A_87], %broadcast_in_dim3A_68 {strides = array<i32>} : memref<16x16xi32, #tpu.memory_space<vmem>>, vector<16xi32>,
    %swap3A_89 = arith.constant 5 : i32
    %swap3A_90 = arith.index_cast %swap3A_89 : i32 to index
    %swap3A_91 = arith.constant 0 : index
    %swap3A_92 = tpu.vector_load %arg11[%swap3A_90, %swap3A_91] {strides = array<i32>} : memref<16x16xi32, #tpu.memory_space<vmem>>, vector<16xi32>,
    tpu.vector_store %arg11[%swap3A_90, %swap3A_91], %broadcast_in_dim3A_68 {strides = array<i32>} : memref<16x16xi32, #tpu.memory_space<vmem>>, vector<16xi32>,
    %swap3A_93 = arith.constant 6 : i32
    %swap3A_94 = arith.index_cast %swap3A_93 : i32 to index
    %swap3A_95 = arith.constant 0 : index
    %swap3A_96 = tpu.vector_load %arg11[%swap3A_94, %swap3A_95] {strides = array<i32>} : memref<16x16xi32, #tpu.memory_space<vmem>>, vector<16xi32>,
    tpu.vector_store %arg11[%swap3A_94, %swap3A_95], %broadcast_in_dim3A_68 {strides = array<i32>} : memref<16x16xi32, #tpu.memory_space<vmem>>, vector<16xi32>,
    %swap3A_97 = arith.constant 7 : i32
    %swap3A_98 = arith.index_cast %swap3A_97 : i32 to index
    %swap3A_99 = arith.constant 0 : index
    %swap3A_100 = tpu.vector_load %arg11[%swap3A_98, %swap3A_99] {strides = array<i32>} : memref<16x16xi32, #tpu.memory_space<vmem>>, vector<16xi32>,
    tpu.vector_store %arg11[%swap3A_98, %swap3A_99], %broadcast_in_dim3A_68 {strides = array<i32>} : memref<16x16xi32, #tpu.memory_space<vmem>>, vector<16xi32>,
    %swap3A_101 = arith.constant 8 : i32
    %swap3A_102 = arith.index_cast %swap3A_101 : i32 to index
    %swap3A_103 = arith.constant 0 : index
    %swap3A_104 = tpu.vector_load %arg11[%swap3A_102, %swap3A_103] {strides = array<i32>} : memref<16x16xi32, #tpu.memory_space<vmem>>, vector<16xi32>,
    tpu.vector_store %arg11[%swap3A_102, %swap3A_103], %broadcast_in_dim3A_68 {strides = array<i32>} : memref<16x16xi32, #tpu.memory_space<vmem>>, vector<16xi32>,
    %swap3A_105 = arith.constant 9 : i32
    %swap3A_106 = arith.index_cast %swap3A_105 : i32 to index
    %swap3A_107 = arith.constant 0 : index
    %swap3A_108 = tpu.vector_load %arg11[%swap3A_106, %swap3A_107] {strides = array<i32>} : memref<16x16xi32, #tpu.memory_space<vmem>>, vector<16xi32>,
    tpu.vector_store %arg11[%swap3A_106, %swap3A_107], %broadcast_in_dim3A_68 {strides = array<i32>} : memref<16x16xi32, #tpu.memory_space<vmem>>, vector<16xi32>,
    %swap3A_109 = arith.constant 10 : i32
    %swap3A_110 = arith.index_cast %swap3A_109 : i32 to index
    %swap3A_111 = arith.constant 0 : index
    %swap3A_112 = tpu.vector_load %arg11[%swap3A_110, %swap3A_111] {strides = array<i32>} : memref<16x16xi32, #tpu.memory_space<vmem>>, vector<16xi32>,
    tpu.vector_store %arg11[%swap3A_110, %swap3A_111], %broadcast_in_dim3A_68 {strides = array<i32>} : memref<16x16xi32, #tpu.memory_space<vmem>>, vector<16xi32>,
    %swap3A_113 = arith.constant 11 : i32
    %swap3A_114 = arith.index_cast %swap3A_113 : i32 to index
    %swap3A_115 = arith.constant 0 : index
    %swap3A_116 = tpu.vector_load %arg11[%swap3A_114, %swap3A_115] {strides = array<i32>} : memref<16x16xi32, #tpu.memory_space<vmem>>, vector<16xi32>,
    tpu.vector_store %arg11[%swap3A_114, %swap3A_115], %broadcast_in_dim3A_68 {strides = array<i32>} : memref<16x16xi32, #tpu.memory_space<vmem>>, vector<16xi32>,
    %swap3A_117 = arith.constant 12 : i32
    %swap3A_118 = arith.index_cast %swap3A_117 : i32 to index
    %swap3A_119 = arith.constant 0 : index
    %swap3A_120 = tpu.vector_load %arg11[%swap3A_118, %swap3A_119] {strides = array<i32>} : memref<16x16xi32, #tpu.memory_space<vmem>>, vector<16xi32>,
    tpu.vector_store %arg11[%swap3A_118, %swap3A_119], %broadcast_in_dim3A_68 {strides = array<i32>} : memref<16x16xi32, #tpu.memory_space<vmem>>, vector<16xi32>,
    %swap3A_121 = arith.constant 13 : i32
    %swap3A_122 = arith.index_cast %swap3A_121 : i32 to index
    %swap3A_123 = arith.constant 0 : index
    %swap3A_124 = tpu.vector_load %arg11[%swap3A_122, %swap3A_123] {strides = array<i32>} : memref<16x16xi32, #tpu.memory_space<vmem>>, vector<16xi32>,
    tpu.vector_store %arg11[%swap3A_122, %swap3A_123], %broadcast_in_dim3A_68 {strides = array<i32>} : memref<16x16xi32, #tpu.memory_space<vmem>>, vector<16xi32>,
    %swap3A_125 = arith.constant 14 : i32
    %swap3A_126 = arith.index_cast %swap3A_125 : i32 to index
    %swap3A_127 = arith.constant 0 : index
    %swap3A_128 = tpu.vector_load %arg11[%swap3A_126, %swap3A_127] {strides = array<i32>} : memref<16x16xi32, #tpu.memory_space<vmem>>, vector<16xi32>,
    tpu.vector_store %arg11[%swap3A_126, %swap3A_127], %broadcast_in_dim3A_68 {strides = array<i32>} : memref<16x16xi32, #tpu.memory_space<vmem>>, vector<16xi32>,
    %swap3A_129 = arith.constant 15 : i32
    %swap3A_130 = arith.index_cast %swap3A_129 : i32 to index
    %swap3A_131 = arith.constant 0 : index
    %swap3A_132 = tpu.vector_load %arg11[%swap3A_130, %swap3A_131] {strides = array<i32>} : memref<16x16xi32, #tpu.memory_space<vmem>>, vector<16xi32>,
    tpu.vector_store %arg11[%swap3A_130, %swap3A_131], %broadcast_in_dim3A_68 {strides = array<i32>} : memref<16x16xi32, #tpu.memory_space<vmem>>, vector<16xi32>,
    %iota3A = tpu.iota {dimensions = array<i32: 0>} : vector<16xi32>
    %broadcast_in_dim3A_133 = arith.constant 1 : i32
    %broadcast_in_dim3A_134 = vector.broadcast %broadcast_in_dim3A_133 : i32 to vector<16xi32>
    %add3A_135 = arith.constant 0 : i32
    %add3A_136 = arith.addi %mul3A_2, %add3A_135 : i32
    %dma_start3A = arith.constant 1 : i32
    %dma_start3A_137 = arith.constant 0 : i32
    %dma_start3A_138 = arith.constant 0 : i32
    %dma_start3A_139 = tpu.memref_slice %arg8[%dma_start3A_137, %dma_start3A_138] : memref<2x800xi32, #tpu.memory_space<vmem>> -> memref<1x800xi32, #tpu.memory_space<vmem>>
    %dma_start3A_140 = tpu.memref_squeeze %dma_start3A_139 : memref<1x800xi32, #tpu.memory_space<vmem>> -> memref<800xi32, #tpu.memory_space<vmem>>
    %dma_start3A_141 = tpu.memref_slice %arg2[%dma_start3A, %add3A_136] : memref<2x1280000xi32, #tpu.memory_space<hbm>> -> memref<1x800xi32, #tpu.memory_space<hbm>>
    %dma_start3A_142 = tpu.memref_squeeze %dma_start3A_141 : memref<1x800xi32, #tpu.memory_space<hbm>> -> memref<800xi32, #tpu.memory_space<hbm>>
    %dma_start3A_143 = arith.constant 0 : i32
    %dma_start3A_144 = tpu.memref_slice %arg8[%dma_start3A_137, %dma_start3A_143] : memref<2x800xi32, #tpu.memory_space<vmem>> -> memref<1x800xi32, #tpu.memory_space<vmem>>
    %dma_start3A_145 = tpu.memref_squeeze %dma_start3A_144 : memref<1x800xi32, #tpu.memory_space<vmem>> -> memref<800xi32, #tpu.memory_space<vmem>>
    %dma_start3A_146 = tpu.memref_slice %arg2[%dma_start3A, %add3A_136] : memref<2x1280000xi32, #tpu.memory_space<hbm>> -> memref<1x800xi32, #tpu.memory_space<hbm>>
    %dma_start3A_147 = tpu.memref_squeeze %dma_start3A_146 : memref<1x800xi32, #tpu.memory_space<hbm>> -> memref<800xi32, #tpu.memory_space<hbm>>
    tpu.enqueue_dma source(%dma_start3A_147 : memref<800xi32, #tpu.memory_space<hbm>>) target(%dma_start3A_145 : memref<800xi32, #tpu.memory_space<vmem>>) target_semaphore(%arg12 : memref<!tpu.dma_semaphore, #tpu.memory_space<semaphore_mem>>)
    %dma_start3A_148 = arith.constant 0 : i32
    %dma_start3A_149 = arith.constant 0 : i32
    %dma_start3A_150 = arith.constant 0 : i32
    %dma_start3A_151 = tpu.memref_slice %arg9[%dma_start3A_148, %dma_start3A_149, %dma_start3A_150] : memref<2x16x800xf32, #tpu.memory_space<vmem>> -> memref<1x16x800xf32, #tpu.memory_space<vmem>>
    %dma_start3A_152 = tpu.memref_squeeze %dma_start3A_151 : memref<1x16x800xf32, #tpu.memory_space<vmem>> -> memref<16x800xf32, #tpu.memory_space<vmem>>
    %dma_start3A_153 = arith.constant 0 : i32
    %dma_start3A_154 = tpu.memref_slice %arg4[%dma_start3A_153, %add3A_136] : memref<16x1280000xf32, #tpu.memory_space<hbm>> -> memref<16x800xf32, #tpu.memory_space<hbm>>
    %dma_start3A_155 = arith.constant 0 : i32
    %dma_start3A_156 = arith.constant 0 : i32
    %dma_start3A_157 = tpu.memref_slice %arg9[%dma_start3A_148, %dma_start3A_155, %dma_start3A_156] : memref<2x16x800xf32, #tpu.memory_space<vmem>> -> memref<1x16x800xf32, #tpu.memory_space<vmem>>
    %dma_start3A_158 = tpu.memref_squeeze %dma_start3A_157 : memref<1x16x800xf32, #tpu.memory_space<vmem>> -> memref<16x800xf32, #tpu.memory_space<vmem>>
    %dma_start3A_159 = arith.constant 0 : i32
    %dma_start3A_160 = tpu.memref_slice %arg4[%dma_start3A_159, %add3A_136] : memref<16x1280000xf32, #tpu.memory_space<hbm>> -> memref<16x800xf32, #tpu.memory_space<hbm>>
    tpu.enqueue_dma source(%dma_start3A_160 : memref<16x800xf32, #tpu.memory_space<hbm>>) target(%dma_start3A_158 : memref<16x800xf32, #tpu.memory_space<vmem>>) target_semaphore(%arg12 : memref<!tpu.dma_semaphore, #tpu.memory_space<semaphore_mem>>)
    %scan3A = arith.constant 0 : i32
    %scan3A_161 = arith.constant 0 : i32
    %scan3A_162 = arith.constant 25 : i32
    %scan3A_163 = arith.addi %scan3A_161, %scan3A_162 : i32
    %scan3A_164 = arith.constant 1 : i32
    scf.for %scan3A_166 = %scan3A_161 to %scan3A_163 step %scan3A_164  : i32 {
      %mul3A_167 = arith.constant 2 : i32
      %mul3A_168 = arith.muli %mul3A_167, %scan3A_166 : i32
      %dma_wait3A = arith.constant 1 : i32
      %dma_wait3A_169 = arith.constant 0 : i32
      %dma_wait3A_170 = arith.constant 0 : i32
      %dma_wait3A_171 = tpu.memref_slice %arg8[%dma_wait3A_169, %dma_wait3A_170] : memref<2x800xi32, #tpu.memory_space<vmem>> -> memref<1x800xi32, #tpu.memory_space<vmem>>
      %dma_wait3A_172 = tpu.memref_squeeze %dma_wait3A_171 : memref<1x800xi32, #tpu.memory_space<vmem>> -> memref<800xi32, #tpu.memory_space<vmem>>
      %dma_wait3A_173 = arith.constant 0 : i32
      %dma_wait3A_174 = tpu.memref_slice %arg2[%dma_wait3A, %dma_wait3A_173] : memref<2x1280000xi32, #tpu.memory_space<hbm>> -> memref<1x800xi32, #tpu.memory_space<hbm>>
      %dma_wait3A_175 = tpu.memref_squeeze %dma_wait3A_174 : memref<1x800xi32, #tpu.memory_space<hbm>> -> memref<800xi32, #tpu.memory_space<hbm>>
      %dma_wait3A_176 = arith.constant 0 : i32
      %dma_wait3A_177 = tpu.memref_slice %arg8[%dma_wait3A_169, %dma_wait3A_176] : memref<2x800xi32, #tpu.memory_space<vmem>> -> memref<1x800xi32, #tpu.memory_space<vmem>>
      %dma_wait3A_178 = tpu.memref_squeeze %dma_wait3A_177 : memref<1x800xi32, #tpu.memory_space<vmem>> -> memref<800xi32, #tpu.memory_space<vmem>>
      %dma_wait3A_179 = arith.constant 0 : i32
      %dma_wait3A_180 = tpu.memref_slice %arg2[%dma_wait3A, %dma_wait3A_179] : memref<2x1280000xi32, #tpu.memory_space<hbm>> -> memref<1x800xi32, #tpu.memory_space<hbm>>
      %dma_wait3A_181 = tpu.memref_squeeze %dma_wait3A_180 : memref<1x800xi32, #tpu.memory_space<hbm>> -> memref<800xi32, #tpu.memory_space<hbm>>
      tpu.wait_dma2 semaphore(%arg12 : memref<!tpu.dma_semaphore, #tpu.memory_space<semaphore_mem>>) src(%dma_wait3A_181 : memref<800xi32, #tpu.memory_space<hbm>>) dst(%dma_wait3A_178 : memref<800xi32, #tpu.memory_space<vmem>>)
      %dma_wait3A_182 = arith.constant 0 : i32
      %dma_wait3A_183 = arith.constant 0 : i32
      %dma_wait3A_184 = arith.constant 0 : i32
      %dma_wait3A_185 = tpu.memref_slice %arg9[%dma_wait3A_182, %dma_wait3A_183, %dma_wait3A_184] : memref<2x16x800xf32, #tpu.memory_space<vmem>> -> memref<1x16x800xf32, #tpu.memory_space<vmem>>
      %dma_wait3A_186 = tpu.memref_squeeze %dma_wait3A_185 : memref<1x16x800xf32, #tpu.memory_space<vmem>> -> memref<16x800xf32, #tpu.memory_space<vmem>>
      %dma_wait3A_187 = arith.constant 0 : i32
      %dma_wait3A_188 = arith.constant 0 : i32
      %dma_wait3A_189 = tpu.memref_slice %arg4[%dma_wait3A_187, %dma_wait3A_188] : memref<16x1280000xf32, #tpu.memory_space<hbm>> -> memref<16x800xf32, #tpu.memory_space<hbm>>
      %dma_wait3A_190 = arith.constant 0 : i32
      %dma_wait3A_191 = arith.constant 0 : i32
      %dma_wait3A_192 = tpu.memref_slice %arg9[%dma_wait3A_182, %dma_wait3A_190, %dma_wait3A_191] : memref<2x16x800xf32, #tpu.memory_space<vmem>> -> memref<1x16x800xf32, #tpu.memory_space<vmem>>
      %dma_wait3A_193 = tpu.memref_squeeze %dma_wait3A_192 : memref<1x16x800xf32, #tpu.memory_space<vmem>> -> memref<16x800xf32, #tpu.memory_space<vmem>>
      %dma_wait3A_194 = arith.constant 0 : i32
      %dma_wait3A_195 = arith.constant 0 : i32
      %dma_wait3A_196 = tpu.memref_slice %arg4[%dma_wait3A_194, %dma_wait3A_195] : memref<16x1280000xf32, #tpu.memory_space<hbm>> -> memref<16x800xf32, #tpu.memory_space<hbm>>
      tpu.wait_dma2 semaphore(%arg12 : memref<!tpu.dma_semaphore, #tpu.memory_space<semaphore_mem>>) src(%dma_wait3A_196 : memref<16x800xf32, #tpu.memory_space<hbm>>) dst(%dma_wait3A_193 : memref<16x800xf32, #tpu.memory_space<vmem>>)
      %cond3A = arith.constant 1 : i32
      %add3A_197 = arith.constant 1 : i32
      %add3A_198 = arith.addi %mul3A_168, %add3A_197 : i32
      %mul3A_199 = arith.constant 800 : i32
      %mul3A_200 = arith.muli %add3A_198, %mul3A_199 : i32
      %add3A_201 = arith.addi %mul3A_2, %mul3A_200 : i32
      %dma_start3A_202 = arith.constant 1 : i32
      %dma_start3A_203 = arith.constant 1 : i32
      %dma_start3A_204 = arith.constant 0 : i32
      %dma_start3A_205 = tpu.memref_slice %arg8[%dma_start3A_203, %dma_start3A_204] : memref<2x800xi32, #tpu.memory_space<vmem>> -> memref<1x800xi32, #tpu.memory_space<vmem>>
      %dma_start3A_206 = tpu.memref_squeeze %dma_start3A_205 : memref<1x800xi32, #tpu.memory_space<vmem>> -> memref<800xi32, #tpu.memory_space<vmem>>
      %dma_start3A_207 = tpu.memref_slice %arg2[%dma_start3A_202, %add3A_201] : memref<2x1280000xi32, #tpu.memory_space<hbm>> -> memref<1x800xi32, #tpu.memory_space<hbm>>
      %dma_start3A_208 = tpu.memref_squeeze %dma_start3A_207 : memref<1x800xi32, #tpu.memory_space<hbm>> -> memref<800xi32, #tpu.memory_space<hbm>>
      %dma_start3A_209 = arith.constant 0 : i32
      %dma_start3A_210 = tpu.memref_slice %arg8[%dma_start3A_203, %dma_start3A_209] : memref<2x800xi32, #tpu.memory_space<vmem>> -> memref<1x800xi32, #tpu.memory_space<vmem>>
      %dma_start3A_211 = tpu.memref_squeeze %dma_start3A_210 : memref<1x800xi32, #tpu.memory_space<vmem>> -> memref<800xi32, #tpu.memory_space<vmem>>
      %dma_start3A_212 = tpu.memref_slice %arg2[%dma_start3A_202, %add3A_201] : memref<2x1280000xi32, #tpu.memory_space<hbm>> -> memref<1x800xi32, #tpu.memory_space<hbm>>
      %dma_start3A_213 = tpu.memref_squeeze %dma_start3A_212 : memref<1x800xi32, #tpu.memory_space<hbm>> -> memref<800xi32, #tpu.memory_space<hbm>>
      tpu.enqueue_dma source(%dma_start3A_213 : memref<800xi32, #tpu.memory_space<hbm>>) target(%dma_start3A_211 : memref<800xi32, #tpu.memory_space<vmem>>) target_semaphore(%arg13 : memref<!tpu.dma_semaphore, #tpu.memory_space<semaphore_mem>>)
      %dma_start3A_214 = arith.constant 1 : i32
      %dma_start3A_215 = arith.constant 0 : i32
      %dma_start3A_216 = arith.constant 0 : i32
      %dma_start3A_217 = tpu.memref_slice %arg9[%dma_start3A_214, %dma_start3A_215, %dma_start3A_216] : memref<2x16x800xf32, #tpu.memory_space<vmem>> -> memref<1x16x800xf32, #tpu.memory_space<vmem>>
      %dma_start3A_218 = tpu.memref_squeeze %dma_start3A_217 : memref<1x16x800xf32, #tpu.memory_space<vmem>> -> memref<16x800xf32, #tpu.memory_space<vmem>>
      %dma_start3A_219 = arith.constant 0 : i32
      %dma_start3A_220 = tpu.memref_slice %arg4[%dma_start3A_219, %add3A_201] : memref<16x1280000xf32, #tpu.memory_space<hbm>> -> memref<16x800xf32, #tpu.memory_space<hbm>>
      %dma_start3A_221 = arith.constant 0 : i32
      %dma_start3A_222 = arith.constant 0 : i32
      %dma_start3A_223 = tpu.memref_slice %arg9[%dma_start3A_214, %dma_start3A_221, %dma_start3A_222] : memref<2x16x800xf32, #tpu.memory_space<vmem>> -> memref<1x16x800xf32, #tpu.memory_space<vmem>>
      %dma_start3A_224 = tpu.memref_squeeze %dma_start3A_223 : memref<1x16x800xf32, #tpu.memory_space<vmem>> -> memref<16x800xf32, #tpu.memory_space<vmem>>
      %dma_start3A_225 = arith.constant 0 : i32
      %dma_start3A_226 = tpu.memref_slice %arg4[%dma_start3A_225, %add3A_201] : memref<16x1280000xf32, #tpu.memory_space<hbm>> -> memref<16x800xf32, #tpu.memory_space<hbm>>
      tpu.enqueue_dma source(%dma_start3A_226 : memref<16x800xf32, #tpu.memory_space<hbm>>) target(%dma_start3A_224 : memref<16x800xf32, #tpu.memory_space<vmem>>) target_semaphore(%arg13 : memref<!tpu.dma_semaphore, #tpu.memory_space<semaphore_mem>>)
      %scan3A_227 = arith.constant 0 : i32
      %scan3A_228 = arith.constant 0 : i32
      %scan3A_229 = arith.constant 50 : i32
      %scan3A_230 = arith.addi %scan3A_228, %scan3A_229 : i32
      %scan3A_231 = arith.constant 1 : i32
      scf.for %scan3A_275 = %scan3A_228 to %scan3A_230 step %scan3A_231  : i32 {
        %mul3A_276 = arith.constant 16 : i32
        %mul3A_277 = arith.muli %scan3A_275, %mul3A_276 : i32
        %get3A = arith.constant 0 : i32
        %get3A_278 = arith.index_cast %get3A : i32 to index
        %get3A_279 = arith.index_cast %mul3A_277 : i32 to index
        %get3A_280 = tpu.vector_load %arg8[%get3A_278, %get3A_279] {strides = array<i32>} : memref<2x800xi32, #tpu.memory_space<vmem>>, vector<16xi32>,
        %shift_right_arithmetic3A = arith.constant 2 : i32
        %shift_right_arithmetic3A_281 = vector.broadcast %shift_right_arithmetic3A : i32 to vector<16xi32>
        %shift_right_arithmetic3A_282 = arith.shrsi %get3A_280, %shift_right_arithmetic3A_281 : vector<16xi32>
        %gather3A = tpu.vector_load_idx %arg7[%shift_right_arithmetic3A_282] : memref<80000xi32, #tpu.memory_space<vmem>>[vector<16xi32>], vector<16xi32>,
        %and3A = arith.constant 3 : i32
        %and3A_283 = vector.broadcast %and3A : i32 to vector<16xi32>
        %and3A_284 = arith.andi %get3A_280, %and3A_283 : vector<16xi32>
        %shift_left3A = arith.constant 3 : i32
        %shift_left3A_285 = vector.broadcast %shift_left3A : i32 to vector<16xi32>
        %shift_left3A_286 = arith.shli %and3A_284, %shift_left3A_285 : vector<16xi32>
        %shift_right_arithmetic3A_287 = arith.shrsi %gather3A, %shift_left3A_286 : vector<16xi32>
        %and3A_288 = arith.constant 255 : i32
        %and3A_289 = vector.broadcast %and3A_288 : i32 to vector<16xi32>
        %and3A_290 = arith.andi %shift_right_arithmetic3A_287, %and3A_289 : vector<16xi32>
        tpu.vector_store_idx %arg11[%and3A_290, %iota3A], %broadcast_in_dim3A_134 {add = true} : memref<16x16xi32, #tpu.memory_space<vmem>>[vector<16xi32>, vector<16xi32>], vector<16xi32>,
        %mul3A_291 = arith.constant 16 : i32
        %mul3A_292 = arith.muli %scan3A_275, %mul3A_291 : i32
        %get3A_293 = arith.constant 0 : i32
        %get3A_294 = arith.constant 0 : i32
        %get3A_295 = arith.index_cast %get3A_293 : i32 to index
        %get3A_296 = arith.index_cast %get3A_294 : i32 to index
        %get3A_297 = arith.index_cast %mul3A_292 : i32 to index
        %get3A_298 = tpu.vector_load %arg9[%get3A_295, %get3A_296, %get3A_297] {strides = array<i32>} : memref<2x16x800xf32, #tpu.memory_space<vmem>>, vector<16xf32>,
        %broadcast_in_dim3A_299 = arith.constant 0 : i32
        %broadcast_in_dim3A_300 = vector.broadcast %broadcast_in_dim3A_299 : i32 to vector<16xi32>
        tpu.vector_store_idx %arg10[%broadcast_in_dim3A_300, %and3A_290], %get3A_298 {add = true} : memref<16x16xf32, #tpu.memory_space<vmem>>[vector<16xi32>, vector<16xi32>], vector<16xf32>,
        %mul3A_301 = arith.constant 16 : i32
        %mul3A_302 = arith.muli %scan3A_275, %mul3A_301 : i32
        %get3A_303 = arith.constant 0 : i32
        %get3A_304 = arith.constant 1 : i32
        %get3A_305 = arith.index_cast %get3A_303 : i32 to index
        %get3A_306 = arith.index_cast %get3A_304 : i32 to index
        %get3A_307 = arith.index_cast %mul3A_302 : i32 to index
        %get3A_308 = tpu.vector_load %arg9[%get3A_305, %get3A_306, %get3A_307] {strides = array<i32>} : memref<2x16x800xf32, #tpu.memory_space<vmem>>, vector<16xf32>,
        %broadcast_in_dim3A_309 = arith.constant 1 : i32
        %broadcast_in_dim3A_310 = vector.broadcast %broadcast_in_dim3A_309 : i32 to vector<16xi32>
        tpu.vector_store_idx %arg10[%broadcast_in_dim3A_310, %and3A_290], %get3A_308 {add = true} : memref<16x16xf32, #tpu.memory_space<vmem>>[vector<16xi32>, vector<16xi32>], vector<16xf32>,
        %mul3A_311 = arith.constant 16 : i32
        %mul3A_312 = arith.muli %scan3A_275, %mul3A_311 : i32
        %get3A_313 = arith.constant 0 : i32
        %get3A_314 = arith.constant 2 : i32
        %get3A_315 = arith.index_cast %get3A_313 : i32 to index
        %get3A_316 = arith.index_cast %get3A_314 : i32 to index
        %get3A_317 = arith.index_cast %mul3A_312 : i32 to index
        %get3A_318 = tpu.vector_load %arg9[%get3A_315, %get3A_316, %get3A_317] {strides = array<i32>} : memref<2x16x800xf32, #tpu.memory_space<vmem>>, vector<16xf32>,
        %broadcast_in_dim3A_319 = arith.constant 2 : i32
        %broadcast_in_dim3A_320 = vector.broadcast %broadcast_in_dim3A_319 : i32 to vector<16xi32>
        tpu.vector_store_idx %arg10[%broadcast_in_dim3A_320, %and3A_290], %get3A_318 {add = true} : memref<16x16xf32, #tpu.memory_space<vmem>>[vector<16xi32>, vector<16xi32>], vector<16xf32>,
        %mul3A_321 = arith.constant 16 : i32
        %mul3A_322 = arith.muli %scan3A_275, %mul3A_321 : i32
        %get3A_323 = arith.constant 0 : i32
        %get3A_324 = arith.constant 3 : i32
        %get3A_325 = arith.index_cast %get3A_323 : i32 to index
        %get3A_326 = arith.index_cast %get3A_324 : i32 to index
        %get3A_327 = arith.index_cast %mul3A_322 : i32 to index
        %get3A_328 = tpu.vector_load %arg9[%get3A_325, %get3A_326, %get3A_327] {strides = array<i32>} : memref<2x16x800xf32, #tpu.memory_space<vmem>>, vector<16xf32>,
        %broadcast_in_dim3A_329 = arith.constant 3 : i32
        %broadcast_in_dim3A_330 = vector.broadcast %broadcast_in_dim3A_329 : i32 to vector<16xi32>
        tpu.vector_store_idx %arg10[%broadcast_in_dim3A_330, %and3A_290], %get3A_328 {add = true} : memref<16x16xf32, #tpu.memory_space<vmem>>[vector<16xi32>, vector<16xi32>], vector<16xf32>,
        %mul3A_331 = arith.constant 16 : i32
        %mul3A_332 = arith.muli %scan3A_275, %mul3A_331 : i32
        %get3A_333 = arith.constant 0 : i32
        %get3A_334 = arith.constant 4 : i32
        %get3A_335 = arith.index_cast %get3A_333 : i32 to index
        %get3A_336 = arith.index_cast %get3A_334 : i32 to index
        %get3A_337 = arith.index_cast %mul3A_332 : i32 to index
        %get3A_338 = tpu.vector_load %arg9[%get3A_335, %get3A_336, %get3A_337] {strides = array<i32>} : memref<2x16x800xf32, #tpu.memory_space<vmem>>, vector<16xf32>,
        %broadcast_in_dim3A_339 = arith.constant 4 : i32
        %broadcast_in_dim3A_340 = vector.broadcast %broadcast_in_dim3A_339 : i32 to vector<16xi32>
        tpu.vector_store_idx %arg10[%broadcast_in_dim3A_340, %and3A_290], %get3A_338 {add = true} : memref<16x16xf32, #tpu.memory_space<vmem>>[vector<16xi32>, vector<16xi32>], vector<16xf32>,
        %mul3A_341 = arith.constant 16 : i32
        %mul3A_342 = arith.muli %scan3A_275, %mul3A_341 : i32
        %get3A_343 = arith.constant 0 : i32
        %get3A_344 = arith.constant 5 : i32
        %get3A_345 = arith.index_cast %get3A_343 : i32 to index
        %get3A_346 = arith.index_cast %get3A_344 : i32 to index
        %get3A_347 = arith.index_cast %mul3A_342 : i32 to index
        %get3A_348 = tpu.vector_load %arg9[%get3A_345, %get3A_346, %get3A_347] {strides = array<i32>} : memref<2x16x800xf32, #tpu.memory_space<vmem>>, vector<16xf32>,
        %broadcast_in_dim3A_349 = arith.constant 5 : i32
        %broadcast_in_dim3A_350 = vector.broadcast %broadcast_in_dim3A_349 : i32 to vector<16xi32>
        tpu.vector_store_idx %arg10[%broadcast_in_dim3A_350, %and3A_290], %get3A_348 {add = true} : memref<16x16xf32, #tpu.memory_space<vmem>>[vector<16xi32>, vector<16xi32>], vector<16xf32>,
        %mul3A_351 = arith.constant 16 : i32
        %mul3A_352 = arith.muli %scan3A_275, %mul3A_351 : i32
        %get3A_353 = arith.constant 0 : i32
        %get3A_354 = arith.constant 6 : i32
        %get3A_355 = arith.index_cast %get3A_353 : i32 to index
        %get3A_356 = arith.index_cast %get3A_354 : i32 to index
        %get3A_357 = arith.index_cast %mul3A_352 : i32 to index
        %get3A_358 = tpu.vector_load %arg9[%get3A_355, %get3A_356, %get3A_357] {strides = array<i32>} : memref<2x16x800xf32, #tpu.memory_space<vmem>>, vector<16xf32>,
        %broadcast_in_dim3A_359 = arith.constant 6 : i32
        %broadcast_in_dim3A_360 = vector.broadcast %broadcast_in_dim3A_359 : i32 to vector<16xi32>
        tpu.vector_store_idx %arg10[%broadcast_in_dim3A_360, %and3A_290], %get3A_358 {add = true} : memref<16x16xf32, #tpu.memory_space<vmem>>[vector<16xi32>, vector<16xi32>], vector<16xf32>,
        %mul3A_361 = arith.constant 16 : i32
        %mul3A_362 = arith.muli %scan3A_275, %mul3A_361 : i32
        %get3A_363 = arith.constant 0 : i32
        %get3A_364 = arith.constant 7 : i32
        %get3A_365 = arith.index_cast %get3A_363 : i32 to index
        %get3A_366 = arith.index_cast %get3A_364 : i32 to index
        %get3A_367 = arith.index_cast %mul3A_362 : i32 to index
        %get3A_368 = tpu.vector_load %arg9[%get3A_365, %get3A_366, %get3A_367] {strides = array<i32>} : memref<2x16x800xf32, #tpu.memory_space<vmem>>, vector<16xf32>,
        %broadcast_in_dim3A_369 = arith.constant 7 : i32
        %broadcast_in_dim3A_370 = vector.broadcast %broadcast_in_dim3A_369 : i32 to vector<16xi32>
        tpu.vector_store_idx %arg10[%broadcast_in_dim3A_370, %and3A_290], %get3A_368 {add = true} : memref<16x16xf32, #tpu.memory_space<vmem>>[vector<16xi32>, vector<16xi32>], vector<16xf32>,
        %mul3A_371 = arith.constant 16 : i32
        %mul3A_372 = arith.muli %scan3A_275, %mul3A_371 : i32
        %get3A_373 = arith.constant 0 : i32
        %get3A_374 = arith.constant 8 : i32
        %get3A_375 = arith.index_cast %get3A_373 : i32 to index
        %get3A_376 = arith.index_cast %get3A_374 : i32 to index
        %get3A_377 = arith.index_cast %mul3A_372 : i32 to index
        %get3A_378 = tpu.vector_load %arg9[%get3A_375, %get3A_376, %get3A_377] {strides = array<i32>} : memref<2x16x800xf32, #tpu.memory_space<vmem>>, vector<16xf32>,
        %broadcast_in_dim3A_379 = arith.constant 8 : i32
        %broadcast_in_dim3A_380 = vector.broadcast %broadcast_in_dim3A_379 : i32 to vector<16xi32>
        tpu.vector_store_idx %arg10[%broadcast_in_dim3A_380, %and3A_290], %get3A_378 {add = true} : memref<16x16xf32, #tpu.memory_space<vmem>>[vector<16xi32>, vector<16xi32>], vector<16xf32>,
        %mul3A_381 = arith.constant 16 : i32
        %mul3A_382 = arith.muli %scan3A_275, %mul3A_381 : i32
        %get3A_383 = arith.constant 0 : i32
        %get3A_384 = arith.constant 9 : i32
        %get3A_385 = arith.index_cast %get3A_383 : i32 to index
        %get3A_386 = arith.index_cast %get3A_384 : i32 to index
        %get3A_387 = arith.index_cast %mul3A_382 : i32 to index
        %get3A_388 = tpu.vector_load %arg9[%get3A_385, %get3A_386, %get3A_387] {strides = array<i32>} : memref<2x16x800xf32, #tpu.memory_space<vmem>>, vector<16xf32>,
        %broadcast_in_dim3A_389 = arith.constant 9 : i32
        %broadcast_in_dim3A_390 = vector.broadcast %broadcast_in_dim3A_389 : i32 to vector<16xi32>
        tpu.vector_store_idx %arg10[%broadcast_in_dim3A_390, %and3A_290], %get3A_388 {add = true} : memref<16x16xf32, #tpu.memory_space<vmem>>[vector<16xi32>, vector<16xi32>], vector<16xf32>,
        %mul3A_391 = arith.constant 16 : i32
        %mul3A_392 = arith.muli %scan3A_275, %mul3A_391 : i32
        %get3A_393 = arith.constant 0 : i32
        %get3A_394 = arith.constant 10 : i32
        %get3A_395 = arith.index_cast %get3A_393 : i32 to index
        %get3A_396 = arith.index_cast %get3A_394 : i32 to index
        %get3A_397 = arith.index_cast %mul3A_392 : i32 to index
        %get3A_398 = tpu.vector_load %arg9[%get3A_395, %get3A_396, %get3A_397] {strides = array<i32>} : memref<2x16x800xf32, #tpu.memory_space<vmem>>, vector<16xf32>,
        %broadcast_in_dim3A_399 = arith.constant 10 : i32
        %broadcast_in_dim3A_400 = vector.broadcast %broadcast_in_dim3A_399 : i32 to vector<16xi32>
        tpu.vector_store_idx %arg10[%broadcast_in_dim3A_400, %and3A_290], %get3A_398 {add = true} : memref<16x16xf32, #tpu.memory_space<vmem>>[vector<16xi32>, vector<16xi32>], vector<16xf32>,
        %mul3A_401 = arith.constant 16 : i32
        %mul3A_402 = arith.muli %scan3A_275, %mul3A_401 : i32
        %get3A_403 = arith.constant 0 : i32
        %get3A_404 = arith.constant 11 : i32
        %get3A_405 = arith.index_cast %get3A_403 : i32 to index
        %get3A_406 = arith.index_cast %get3A_404 : i32 to index
        %get3A_407 = arith.index_cast %mul3A_402 : i32 to index
        %get3A_408 = tpu.vector_load %arg9[%get3A_405, %get3A_406, %get3A_407] {strides = array<i32>} : memref<2x16x800xf32, #tpu.memory_space<vmem>>, vector<16xf32>,
        %broadcast_in_dim3A_409 = arith.constant 11 : i32
        %broadcast_in_dim3A_410 = vector.broadcast %broadcast_in_dim3A_409 : i32 to vector<16xi32>
        tpu.vector_store_idx %arg10[%broadcast_in_dim3A_410, %and3A_290], %get3A_408 {add = true} : memref<16x16xf32, #tpu.memory_space<vmem>>[vector<16xi32>, vector<16xi32>], vector<16xf32>,
        %mul3A_411 = arith.constant 16 : i32
        %mul3A_412 = arith.muli %scan3A_275, %mul3A_411 : i32
        %get3A_413 = arith.constant 0 : i32
        %get3A_414 = arith.constant 12 : i32
        %get3A_415 = arith.index_cast %get3A_413 : i32 to index
        %get3A_416 = arith.index_cast %get3A_414 : i32 to index
        %get3A_417 = arith.index_cast %mul3A_412 : i32 to index
        %get3A_418 = tpu.vector_load %arg9[%get3A_415, %get3A_416, %get3A_417] {strides = array<i32>} : memref<2x16x800xf32, #tpu.memory_space<vmem>>, vector<16xf32>,
        %broadcast_in_dim3A_419 = arith.constant 12 : i32
        %broadcast_in_dim3A_420 = vector.broadcast %broadcast_in_dim3A_419 : i32 to vector<16xi32>
        tpu.vector_store_idx %arg10[%broadcast_in_dim3A_420, %and3A_290], %get3A_418 {add = true} : memref<16x16xf32, #tpu.memory_space<vmem>>[vector<16xi32>, vector<16xi32>], vector<16xf32>,
        %mul3A_421 = arith.constant 16 : i32
        %mul3A_422 = arith.muli %scan3A_275, %mul3A_421 : i32
        %get3A_423 = arith.constant 0 : i32
        %get3A_424 = arith.constant 13 : i32
        %get3A_425 = arith.index_cast %get3A_423 : i32 to index
        %get3A_426 = arith.index_cast %get3A_424 : i32 to index
        %get3A_427 = arith.index_cast %mul3A_422 : i32 to index
        %get3A_428 = tpu.vector_load %arg9[%get3A_425, %get3A_426, %get3A_427] {strides = array<i32>} : memref<2x16x800xf32, #tpu.memory_space<vmem>>, vector<16xf32>,
        %broadcast_in_dim3A_429 = arith.constant 13 : i32
        %broadcast_in_dim3A_430 = vector.broadcast %broadcast_in_dim3A_429 : i32 to vector<16xi32>
        tpu.vector_store_idx %arg10[%broadcast_in_dim3A_430, %and3A_290], %get3A_428 {add = true} : memref<16x16xf32, #tpu.memory_space<vmem>>[vector<16xi32>, vector<16xi32>], vector<16xf32>,
        %mul3A_431 = arith.constant 16 : i32
        %mul3A_432 = arith.muli %scan3A_275, %mul3A_431 : i32
        %get3A_433 = arith.constant 0 : i32
        %get3A_434 = arith.constant 14 : i32
        %get3A_435 = arith.index_cast %get3A_433 : i32 to index
        %get3A_436 = arith.index_cast %get3A_434 : i32 to index
        %get3A_437 = arith.index_cast %mul3A_432 : i32 to index
        %get3A_438 = tpu.vector_load %arg9[%get3A_435, %get3A_436, %get3A_437] {strides = array<i32>} : memref<2x16x800xf32, #tpu.memory_space<vmem>>, vector<16xf32>,
        %broadcast_in_dim3A_439 = arith.constant 14 : i32
        %broadcast_in_dim3A_440 = vector.broadcast %broadcast_in_dim3A_439 : i32 to vector<16xi32>
        tpu.vector_store_idx %arg10[%broadcast_in_dim3A_440, %and3A_290], %get3A_438 {add = true} : memref<16x16xf32, #tpu.memory_space<vmem>>[vector<16xi32>, vector<16xi32>], vector<16xf32>,
        %mul3A_441 = arith.constant 16 : i32
        %mul3A_442 = arith.muli %scan3A_275, %mul3A_441 : i32
        %get3A_443 = arith.constant 0 : i32
        %get3A_444 = arith.constant 15 : i32
        %get3A_445 = arith.index_cast %get3A_443 : i32 to index
        %get3A_446 = arith.index_cast %get3A_444 : i32 to index
        %get3A_447 = arith.index_cast %mul3A_442 : i32 to index
        %get3A_448 = tpu.vector_load %arg9[%get3A_445, %get3A_446, %get3A_447] {strides = array<i32>} : memref<2x16x800xf32, #tpu.memory_space<vmem>>, vector<16xf32>,
        %broadcast_in_dim3A_449 = arith.constant 15 : i32
        %broadcast_in_dim3A_450 = vector.broadcast %broadcast_in_dim3A_449 : i32 to vector<16xi32>
        tpu.vector_store_idx %arg10[%broadcast_in_dim3A_450, %and3A_290], %get3A_448 {add = true} : memref<16x16xf32, #tpu.memory_space<vmem>>[vector<16xi32>, vector<16xi32>], vector<16xf32>,
      }
      %scan3A_232 = arith.constant 50 : i32
      %mul3A_233 = arith.constant 2 : i32
      %mul3A_234 = arith.muli %mul3A_233, %scan3A_166 : i32
      %add3A_235 = arith.constant 1 : i32
      %add3A_236 = arith.addi %mul3A_234, %add3A_235 : i32
      %lt3A = arith.constant 24 : i32
      %lt3A_237 = arith.cmpi slt, %scan3A_166, %lt3A : i32
      %dma_wait3A_238 = arith.constant 1 : i32
      %dma_wait3A_239 = arith.constant 1 : i32
      %dma_wait3A_240 = arith.constant 0 : i32
      %dma_wait3A_241 = tpu.memref_slice %arg8[%dma_wait3A_239, %dma_wait3A_240] : memref<2x800xi32, #tpu.memory_space<vmem>> -> memref<1x800xi32, #tpu.memory_space<vmem>>
      %dma_wait3A_242 = tpu.memref_squeeze %dma_wait3A_241 : memref<1x800xi32, #tpu.memory_space<vmem>> -> memref<800xi32, #tpu.memory_space<vmem>>
      %dma_wait3A_243 = arith.constant 0 : i32
      %dma_wait3A_244 = tpu.memref_slice %arg2[%dma_wait3A_238, %dma_wait3A_243] : memref<2x1280000xi32, #tpu.memory_space<hbm>> -> memref<1x800xi32, #tpu.memory_space<hbm>>
      %dma_wait3A_245 = tpu.memref_squeeze %dma_wait3A_244 : memref<1x800xi32, #tpu.memory_space<hbm>> -> memref<800xi32, #tpu.memory_space<hbm>>
      %dma_wait3A_246 = arith.constant 0 : i32
      %dma_wait3A_247 = tpu.memref_slice %arg8[%dma_wait3A_239, %dma_wait3A_246] : memref<2x800xi32, #tpu.memory_space<vmem>> -> memref<1x800xi32, #tpu.memory_space<vmem>>
      %dma_wait3A_248 = tpu.memref_squeeze %dma_wait3A_247 : memref<1x800xi32, #tpu.memory_space<vmem>> -> memref<800xi32, #tpu.memory_space<vmem>>
      %dma_wait3A_249 = arith.constant 0 : i32
      %dma_wait3A_250 = tpu.memref_slice %arg2[%dma_wait3A_238, %dma_wait3A_249] : memref<2x1280000xi32, #tpu.memory_space<hbm>> -> memref<1x800xi32, #tpu.memory_space<hbm>>
      %dma_wait3A_251 = tpu.memref_squeeze %dma_wait3A_250 : memref<1x800xi32, #tpu.memory_space<hbm>> -> memref<800xi32, #tpu.memory_space<hbm>>
      tpu.wait_dma2 semaphore(%arg13 : memref<!tpu.dma_semaphore, #tpu.memory_space<semaphore_mem>>) src(%dma_wait3A_251 : memref<800xi32, #tpu.memory_space<hbm>>) dst(%dma_wait3A_248 : memref<800xi32, #tpu.memory_space<vmem>>)
      %dma_wait3A_252 = arith.constant 1 : i32
      %dma_wait3A_253 = arith.constant 0 : i32
      %dma_wait3A_254 = arith.constant 0 : i32
      %dma_wait3A_255 = tpu.memref_slice %arg9[%dma_wait3A_252, %dma_wait3A_253, %dma_wait3A_254] : memref<2x16x800xf32, #tpu.memory_space<vmem>> -> memref<1x16x800xf32, #tpu.memory_space<vmem>>
      %dma_wait3A_256 = tpu.memref_squeeze %dma_wait3A_255 : memref<1x16x800xf32, #tpu.memory_space<vmem>> -> memref<16x800xf32, #tpu.memory_space<vmem>>
      %dma_wait3A_257 = arith.constant 0 : i32
      %dma_wait3A_258 = arith.constant 0 : i32
      %dma_wait3A_259 = tpu.memref_slice %arg4[%dma_wait3A_257, %dma_wait3A_258] : memref<16x1280000xf32, #tpu.memory_space<hbm>> -> memref<16x800xf32, #tpu.memory_space<hbm>>
      %dma_wait3A_260 = arith.constant 0 : i32
      %dma_wait3A_261 = arith.constant 0 : i32
      %dma_wait3A_262 = tpu.memref_slice %arg9[%dma_wait3A_252, %dma_wait3A_260, %dma_wait3A_261] : memref<2x16x800xf32, #tpu.memory_space<vmem>> -> memref<1x16x800xf32, #tpu.memory_space<vmem>>
      %dma_wait3A_263 = tpu.memref_squeeze %dma_wait3A_262 : memref<1x16x800xf32, #tpu.memory_space<vmem>> -> memref<16x800xf32, #tpu.memory_space<vmem>>
      %dma_wait3A_264 = arith.constant 0 : i32
      %dma_wait3A_265 = arith.constant 0 : i32
      %dma_wait3A_266 = tpu.memref_slice %arg4[%dma_wait3A_264, %dma_wait3A_265] : memref<16x1280000xf32, #tpu.memory_space<hbm>> -> memref<16x800xf32, #tpu.memory_space<hbm>>
      tpu.wait_dma2 semaphore(%arg13 : memref<!tpu.dma_semaphore, #tpu.memory_space<semaphore_mem>>) src(%dma_wait3A_266 : memref<16x800xf32, #tpu.memory_space<hbm>>) dst(%dma_wait3A_263 : memref<16x800xf32, #tpu.memory_space<vmem>>)
      %convert_element_type3A = arith.extui %lt3A_237 : i1 to i32
      %cond3A_267 = arith.constant 0 : i32
      %cond3A_268 = arith.cmpi ne, %convert_element_type3A, %cond3A_267 : i32
      scf.if %cond3A_268 {
        %add3A_275 = arith.constant 1 : i32
        %add3A_276 = arith.addi %add3A_236, %add3A_275 : i32
        %mul3A_277 = arith.constant 800 : i32
        %mul3A_278 = arith.muli %add3A_276, %mul3A_277 : i32
        %add3A_279 = arith.addi %mul3A_2, %mul3A_278 : i32
        %dma_start3A_280 = arith.constant 1 : i32
        %dma_start3A_281 = arith.constant 0 : i32
        %dma_start3A_282 = arith.constant 0 : i32
        %dma_start3A_283 = tpu.memref_slice %arg8[%dma_start3A_281, %dma_start3A_282] : memref<2x800xi32, #tpu.memory_space<vmem>> -> memref<1x800xi32, #tpu.memory_space<vmem>>
        %dma_start3A_284 = tpu.memref_squeeze %dma_start3A_283 : memref<1x800xi32, #tpu.memory_space<vmem>> -> memref<800xi32, #tpu.memory_space<vmem>>
        %dma_start3A_285 = tpu.memref_slice %arg2[%dma_start3A_280, %add3A_279] : memref<2x1280000xi32, #tpu.memory_space<hbm>> -> memref<1x800xi32, #tpu.memory_space<hbm>>
        %dma_start3A_286 = tpu.memref_squeeze %dma_start3A_285 : memref<1x800xi32, #tpu.memory_space<hbm>> -> memref<800xi32, #tpu.memory_space<hbm>>
        %dma_start3A_287 = arith.constant 0 : i32
        %dma_start3A_288 = tpu.memref_slice %arg8[%dma_start3A_281, %dma_start3A_287] : memref<2x800xi32, #tpu.memory_space<vmem>> -> memref<1x800xi32, #tpu.memory_space<vmem>>
        %dma_start3A_289 = tpu.memref_squeeze %dma_start3A_288 : memref<1x800xi32, #tpu.memory_space<vmem>> -> memref<800xi32, #tpu.memory_space<vmem>>
        %dma_start3A_290 = tpu.memref_slice %arg2[%dma_start3A_280, %add3A_279] : memref<2x1280000xi32, #tpu.memory_space<hbm>> -> memref<1x800xi32, #tpu.memory_space<hbm>>
        %dma_start3A_291 = tpu.memref_squeeze %dma_start3A_290 : memref<1x800xi32, #tpu.memory_space<hbm>> -> memref<800xi32, #tpu.memory_space<hbm>>
        tpu.enqueue_dma source(%dma_start3A_291 : memref<800xi32, #tpu.memory_space<hbm>>) target(%dma_start3A_289 : memref<800xi32, #tpu.memory_space<vmem>>) target_semaphore(%arg12 : memref<!tpu.dma_semaphore, #tpu.memory_space<semaphore_mem>>)
        %dma_start3A_292 = arith.constant 0 : i32
        %dma_start3A_293 = arith.constant 0 : i32
        %dma_start3A_294 = arith.constant 0 : i32
        %dma_start3A_295 = tpu.memref_slice %arg9[%dma_start3A_292, %dma_start3A_293, %dma_start3A_294] : memref<2x16x800xf32, #tpu.memory_space<vmem>> -> memref<1x16x800xf32, #tpu.memory_space<vmem>>
        %dma_start3A_296 = tpu.memref_squeeze %dma_start3A_295 : memref<1x16x800xf32, #tpu.memory_space<vmem>> -> memref<16x800xf32, #tpu.memory_space<vmem>>
        %dma_start3A_297 = arith.constant 0 : i32
        %dma_start3A_298 = tpu.memref_slice %arg4[%dma_start3A_297, %add3A_279] : memref<16x1280000xf32, #tpu.memory_space<hbm>> -> memref<16x800xf32, #tpu.memory_space<hbm>>
        %dma_start3A_299 = arith.constant 0 : i32
        %dma_start3A_300 = arith.constant 0 : i32
        %dma_start3A_301 = tpu.memref_slice %arg9[%dma_start3A_292, %dma_start3A_299, %dma_start3A_300] : memref<2x16x800xf32, #tpu.memory_space<vmem>> -> memref<1x16x800xf32, #tpu.memory_space<vmem>>
        %dma_start3A_302 = tpu.memref_squeeze %dma_start3A_301 : memref<1x16x800xf32, #tpu.memory_space<vmem>> -> memref<16x800xf32, #tpu.memory_space<vmem>>
        %dma_start3A_303 = arith.constant 0 : i32
        %dma_start3A_304 = tpu.memref_slice %arg4[%dma_start3A_303, %add3A_279] : memref<16x1280000xf32, #tpu.memory_space<hbm>> -> memref<16x800xf32, #tpu.memory_space<hbm>>
        tpu.enqueue_dma source(%dma_start3A_304 : memref<16x800xf32, #tpu.memory_space<hbm>>) target(%dma_start3A_302 : memref<16x800xf32, #tpu.memory_space<vmem>>) target_semaphore(%arg12 : memref<!tpu.dma_semaphore, #tpu.memory_space<semaphore_mem>>)
      } else {
      }
      %scan3A_269 = arith.constant 0 : i32
      %scan3A_270 = arith.constant 0 : i32
      %scan3A_271 = arith.constant 50 : i32
      %scan3A_272 = arith.addi %scan3A_270, %scan3A_271 : i32
      %scan3A_273 = arith.constant 1 : i32
      scf.for %scan3A_275 = %scan3A_270 to %scan3A_272 step %scan3A_273  : i32 {
        %mul3A_276 = arith.constant 16 : i32
        %mul3A_277 = arith.muli %scan3A_275, %mul3A_276 : i32
        %get3A = arith.constant 1 : i32
        %get3A_278 = arith.index_cast %get3A : i32 to index
        %get3A_279 = arith.index_cast %mul3A_277 : i32 to index
        %get3A_280 = tpu.vector_load %arg8[%get3A_278, %get3A_279] {strides = array<i32>} : memref<2x800xi32, #tpu.memory_space<vmem>>, vector<16xi32>,
        %shift_right_arithmetic3A = arith.constant 2 : i32
        %shift_right_arithmetic3A_281 = vector.broadcast %shift_right_arithmetic3A : i32 to vector<16xi32>
        %shift_right_arithmetic3A_282 = arith.shrsi %get3A_280, %shift_right_arithmetic3A_281 : vector<16xi32>
        %gather3A = tpu.vector_load_idx %arg7[%shift_right_arithmetic3A_282] : memref<80000xi32, #tpu.memory_space<vmem>>[vector<16xi32>], vector<16xi32>,
        %and3A = arith.constant 3 : i32
        %and3A_283 = vector.broadcast %and3A : i32 to vector<16xi32>
        %and3A_284 = arith.andi %get3A_280, %and3A_283 : vector<16xi32>
        %shift_left3A = arith.constant 3 : i32
        %shift_left3A_285 = vector.broadcast %shift_left3A : i32 to vector<16xi32>
        %shift_left3A_286 = arith.shli %and3A_284, %shift_left3A_285 : vector<16xi32>
        %shift_right_arithmetic3A_287 = arith.shrsi %gather3A, %shift_left3A_286 : vector<16xi32>
        %and3A_288 = arith.constant 255 : i32
        %and3A_289 = vector.broadcast %and3A_288 : i32 to vector<16xi32>
        %and3A_290 = arith.andi %shift_right_arithmetic3A_287, %and3A_289 : vector<16xi32>
        tpu.vector_store_idx %arg11[%and3A_290, %iota3A], %broadcast_in_dim3A_134 {add = true} : memref<16x16xi32, #tpu.memory_space<vmem>>[vector<16xi32>, vector<16xi32>], vector<16xi32>,
        %mul3A_291 = arith.constant 16 : i32
        %mul3A_292 = arith.muli %scan3A_275, %mul3A_291 : i32
        %get3A_293 = arith.constant 1 : i32
        %get3A_294 = arith.constant 0 : i32
        %get3A_295 = arith.index_cast %get3A_293 : i32 to index
        %get3A_296 = arith.index_cast %get3A_294 : i32 to index
        %get3A_297 = arith.index_cast %mul3A_292 : i32 to index
        %get3A_298 = tpu.vector_load %arg9[%get3A_295, %get3A_296, %get3A_297] {strides = array<i32>} : memref<2x16x800xf32, #tpu.memory_space<vmem>>, vector<16xf32>,
        %broadcast_in_dim3A_299 = arith.constant 0 : i32
        %broadcast_in_dim3A_300 = vector.broadcast %broadcast_in_dim3A_299 : i32 to vector<16xi32>
        tpu.vector_store_idx %arg10[%broadcast_in_dim3A_300, %and3A_290], %get3A_298 {add = true} : memref<16x16xf32, #tpu.memory_space<vmem>>[vector<16xi32>, vector<16xi32>], vector<16xf32>,
        %mul3A_301 = arith.constant 16 : i32
        %mul3A_302 = arith.muli %scan3A_275, %mul3A_301 : i32
        %get3A_303 = arith.constant 1 : i32
        %get3A_304 = arith.constant 1 : i32
        %get3A_305 = arith.index_cast %get3A_303 : i32 to index
        %get3A_306 = arith.index_cast %get3A_304 : i32 to index
        %get3A_307 = arith.index_cast %mul3A_302 : i32 to index
        %get3A_308 = tpu.vector_load %arg9[%get3A_305, %get3A_306, %get3A_307] {strides = array<i32>} : memref<2x16x800xf32, #tpu.memory_space<vmem>>, vector<16xf32>,
        %broadcast_in_dim3A_309 = arith.constant 1 : i32
        %broadcast_in_dim3A_310 = vector.broadcast %broadcast_in_dim3A_309 : i32 to vector<16xi32>
        tpu.vector_store_idx %arg10[%broadcast_in_dim3A_310, %and3A_290], %get3A_308 {add = true} : memref<16x16xf32, #tpu.memory_space<vmem>>[vector<16xi32>, vector<16xi32>], vector<16xf32>,
        %mul3A_311 = arith.constant 16 : i32
        %mul3A_312 = arith.muli %scan3A_275, %mul3A_311 : i32
        %get3A_313 = arith.constant 1 : i32
        %get3A_314 = arith.constant 2 : i32
        %get3A_315 = arith.index_cast %get3A_313 : i32 to index
        %get3A_316 = arith.index_cast %get3A_314 : i32 to index
        %get3A_317 = arith.index_cast %mul3A_312 : i32 to index
        %get3A_318 = tpu.vector_load %arg9[%get3A_315, %get3A_316, %get3A_317] {strides = array<i32>} : memref<2x16x800xf32, #tpu.memory_space<vmem>>, vector<16xf32>,
        %broadcast_in_dim3A_319 = arith.constant 2 : i32
        %broadcast_in_dim3A_320 = vector.broadcast %broadcast_in_dim3A_319 : i32 to vector<16xi32>
        tpu.vector_store_idx %arg10[%broadcast_in_dim3A_320, %and3A_290], %get3A_318 {add = true} : memref<16x16xf32, #tpu.memory_space<vmem>>[vector<16xi32>, vector<16xi32>], vector<16xf32>,
        %mul3A_321 = arith.constant 16 : i32
        %mul3A_322 = arith.muli %scan3A_275, %mul3A_321 : i32
        %get3A_323 = arith.constant 1 : i32
        %get3A_324 = arith.constant 3 : i32
        %get3A_325 = arith.index_cast %get3A_323 : i32 to index
        %get3A_326 = arith.index_cast %get3A_324 : i32 to index
        %get3A_327 = arith.index_cast %mul3A_322 : i32 to index
        %get3A_328 = tpu.vector_load %arg9[%get3A_325, %get3A_326, %get3A_327] {strides = array<i32>} : memref<2x16x800xf32, #tpu.memory_space<vmem>>, vector<16xf32>,
        %broadcast_in_dim3A_329 = arith.constant 3 : i32
        %broadcast_in_dim3A_330 = vector.broadcast %broadcast_in_dim3A_329 : i32 to vector<16xi32>
        tpu.vector_store_idx %arg10[%broadcast_in_dim3A_330, %and3A_290], %get3A_328 {add = true} : memref<16x16xf32, #tpu.memory_space<vmem>>[vector<16xi32>, vector<16xi32>], vector<16xf32>,
        %mul3A_331 = arith.constant 16 : i32
        %mul3A_332 = arith.muli %scan3A_275, %mul3A_331 : i32
        %get3A_333 = arith.constant 1 : i32
        %get3A_334 = arith.constant 4 : i32
        %get3A_335 = arith.index_cast %get3A_333 : i32 to index
        %get3A_336 = arith.index_cast %get3A_334 : i32 to index
        %get3A_337 = arith.index_cast %mul3A_332 : i32 to index
        %get3A_338 = tpu.vector_load %arg9[%get3A_335, %get3A_336, %get3A_337] {strides = array<i32>} : memref<2x16x800xf32, #tpu.memory_space<vmem>>, vector<16xf32>,
        %broadcast_in_dim3A_339 = arith.constant 4 : i32
        %broadcast_in_dim3A_340 = vector.broadcast %broadcast_in_dim3A_339 : i32 to vector<16xi32>
        tpu.vector_store_idx %arg10[%broadcast_in_dim3A_340, %and3A_290], %get3A_338 {add = true} : memref<16x16xf32, #tpu.memory_space<vmem>>[vector<16xi32>, vector<16xi32>], vector<16xf32>,
        %mul3A_341 = arith.constant 16 : i32
        %mul3A_342 = arith.muli %scan3A_275, %mul3A_341 : i32
        %get3A_343 = arith.constant 1 : i32
        %get3A_344 = arith.constant 5 : i32
        %get3A_345 = arith.index_cast %get3A_343 : i32 to index
        %get3A_346 = arith.index_cast %get3A_344 : i32 to index
        %get3A_347 = arith.index_cast %mul3A_342 : i32 to index
        %get3A_348 = tpu.vector_load %arg9[%get3A_345, %get3A_346, %get3A_347] {strides = array<i32>} : memref<2x16x800xf32, #tpu.memory_space<vmem>>, vector<16xf32>,
        %broadcast_in_dim3A_349 = arith.constant 5 : i32
        %broadcast_in_dim3A_350 = vector.broadcast %broadcast_in_dim3A_349 : i32 to vector<16xi32>
        tpu.vector_store_idx %arg10[%broadcast_in_dim3A_350, %and3A_290], %get3A_348 {add = true} : memref<16x16xf32, #tpu.memory_space<vmem>>[vector<16xi32>, vector<16xi32>], vector<16xf32>,
        %mul3A_351 = arith.constant 16 : i32
        %mul3A_352 = arith.muli %scan3A_275, %mul3A_351 : i32
        %get3A_353 = arith.constant 1 : i32
        %get3A_354 = arith.constant 6 : i32
        %get3A_355 = arith.index_cast %get3A_353 : i32 to index
        %get3A_356 = arith.index_cast %get3A_354 : i32 to index
        %get3A_357 = arith.index_cast %mul3A_352 : i32 to index
        %get3A_358 = tpu.vector_load %arg9[%get3A_355, %get3A_356, %get3A_357] {strides = array<i32>} : memref<2x16x800xf32, #tpu.memory_space<vmem>>, vector<16xf32>,
        %broadcast_in_dim3A_359 = arith.constant 6 : i32
        %broadcast_in_dim3A_360 = vector.broadcast %broadcast_in_dim3A_359 : i32 to vector<16xi32>
        tpu.vector_store_idx %arg10[%broadcast_in_dim3A_360, %and3A_290], %get3A_358 {add = true} : memref<16x16xf32, #tpu.memory_space<vmem>>[vector<16xi32>, vector<16xi32>], vector<16xf32>,
        %mul3A_361 = arith.constant 16 : i32
        %mul3A_362 = arith.muli %scan3A_275, %mul3A_361 : i32
        %get3A_363 = arith.constant 1 : i32
        %get3A_364 = arith.constant 7 : i32
        %get3A_365 = arith.index_cast %get3A_363 : i32 to index
        %get3A_366 = arith.index_cast %get3A_364 : i32 to index
        %get3A_367 = arith.index_cast %mul3A_362 : i32 to index
        %get3A_368 = tpu.vector_load %arg9[%get3A_365, %get3A_366, %get3A_367] {strides = array<i32>} : memref<2x16x800xf32, #tpu.memory_space<vmem>>, vector<16xf32>,
        %broadcast_in_dim3A_369 = arith.constant 7 : i32
        %broadcast_in_dim3A_370 = vector.broadcast %broadcast_in_dim3A_369 : i32 to vector<16xi32>
        tpu.vector_store_idx %arg10[%broadcast_in_dim3A_370, %and3A_290], %get3A_368 {add = true} : memref<16x16xf32, #tpu.memory_space<vmem>>[vector<16xi32>, vector<16xi32>], vector<16xf32>,
        %mul3A_371 = arith.constant 16 : i32
        %mul3A_372 = arith.muli %scan3A_275, %mul3A_371 : i32
        %get3A_373 = arith.constant 1 : i32
        %get3A_374 = arith.constant 8 : i32
        %get3A_375 = arith.index_cast %get3A_373 : i32 to index
        %get3A_376 = arith.index_cast %get3A_374 : i32 to index
        %get3A_377 = arith.index_cast %mul3A_372 : i32 to index
        %get3A_378 = tpu.vector_load %arg9[%get3A_375, %get3A_376, %get3A_377] {strides = array<i32>} : memref<2x16x800xf32, #tpu.memory_space<vmem>>, vector<16xf32>,
        %broadcast_in_dim3A_379 = arith.constant 8 : i32
        %broadcast_in_dim3A_380 = vector.broadcast %broadcast_in_dim3A_379 : i32 to vector<16xi32>
        tpu.vector_store_idx %arg10[%broadcast_in_dim3A_380, %and3A_290], %get3A_378 {add = true} : memref<16x16xf32, #tpu.memory_space<vmem>>[vector<16xi32>, vector<16xi32>], vector<16xf32>,
        %mul3A_381 = arith.constant 16 : i32
        %mul3A_382 = arith.muli %scan3A_275, %mul3A_381 : i32
        %get3A_383 = arith.constant 1 : i32
        %get3A_384 = arith.constant 9 : i32
        %get3A_385 = arith.index_cast %get3A_383 : i32 to index
        %get3A_386 = arith.index_cast %get3A_384 : i32 to index
        %get3A_387 = arith.index_cast %mul3A_382 : i32 to index
        %get3A_388 = tpu.vector_load %arg9[%get3A_385, %get3A_386, %get3A_387] {strides = array<i32>} : memref<2x16x800xf32, #tpu.memory_space<vmem>>, vector<16xf32>,
        %broadcast_in_dim3A_389 = arith.constant 9 : i32
        %broadcast_in_dim3A_390 = vector.broadcast %broadcast_in_dim3A_389 : i32 to vector<16xi32>
        tpu.vector_store_idx %arg10[%broadcast_in_dim3A_390, %and3A_290], %get3A_388 {add = true} : memref<16x16xf32, #tpu.memory_space<vmem>>[vector<16xi32>, vector<16xi32>], vector<16xf32>,
        %mul3A_391 = arith.constant 16 : i32
        %mul3A_392 = arith.muli %scan3A_275, %mul3A_391 : i32
        %get3A_393 = arith.constant 1 : i32
        %get3A_394 = arith.constant 10 : i32
        %get3A_395 = arith.index_cast %get3A_393 : i32 to index
        %get3A_396 = arith.index_cast %get3A_394 : i32 to index
        %get3A_397 = arith.index_cast %mul3A_392 : i32 to index
        %get3A_398 = tpu.vector_load %arg9[%get3A_395, %get3A_396, %get3A_397] {strides = array<i32>} : memref<2x16x800xf32, #tpu.memory_space<vmem>>, vector<16xf32>,
        %broadcast_in_dim3A_399 = arith.constant 10 : i32
        %broadcast_in_dim3A_400 = vector.broadcast %broadcast_in_dim3A_399 : i32 to vector<16xi32>
        tpu.vector_store_idx %arg10[%broadcast_in_dim3A_400, %and3A_290], %get3A_398 {add = true} : memref<16x16xf32, #tpu.memory_space<vmem>>[vector<16xi32>, vector<16xi32>], vector<16xf32>,
        %mul3A_401 = arith.constant 16 : i32
        %mul3A_402 = arith.muli %scan3A_275, %mul3A_401 : i32
        %get3A_403 = arith.constant 1 : i32
        %get3A_404 = arith.constant 11 : i32
        %get3A_405 = arith.index_cast %get3A_403 : i32 to index
        %get3A_406 = arith.index_cast %get3A_404 : i32 to index
        %get3A_407 = arith.index_cast %mul3A_402 : i32 to index
        %get3A_408 = tpu.vector_load %arg9[%get3A_405, %get3A_406, %get3A_407] {strides = array<i32>} : memref<2x16x800xf32, #tpu.memory_space<vmem>>, vector<16xf32>,
        %broadcast_in_dim3A_409 = arith.constant 11 : i32
        %broadcast_in_dim3A_410 = vector.broadcast %broadcast_in_dim3A_409 : i32 to vector<16xi32>
        tpu.vector_store_idx %arg10[%broadcast_in_dim3A_410, %and3A_290], %get3A_408 {add = true} : memref<16x16xf32, #tpu.memory_space<vmem>>[vector<16xi32>, vector<16xi32>], vector<16xf32>,
        %mul3A_411 = arith.constant 16 : i32
        %mul3A_412 = arith.muli %scan3A_275, %mul3A_411 : i32
        %get3A_413 = arith.constant 1 : i32
        %get3A_414 = arith.constant 12 : i32
        %get3A_415 = arith.index_cast %get3A_413 : i32 to index
        %get3A_416 = arith.index_cast %get3A_414 : i32 to index
        %get3A_417 = arith.index_cast %mul3A_412 : i32 to index
        %get3A_418 = tpu.vector_load %arg9[%get3A_415, %get3A_416, %get3A_417] {strides = array<i32>} : memref<2x16x800xf32, #tpu.memory_space<vmem>>, vector<16xf32>,
        %broadcast_in_dim3A_419 = arith.constant 12 : i32
        %broadcast_in_dim3A_420 = vector.broadcast %broadcast_in_dim3A_419 : i32 to vector<16xi32>
        tpu.vector_store_idx %arg10[%broadcast_in_dim3A_420, %and3A_290], %get3A_418 {add = true} : memref<16x16xf32, #tpu.memory_space<vmem>>[vector<16xi32>, vector<16xi32>], vector<16xf32>,
        %mul3A_421 = arith.constant 16 : i32
        %mul3A_422 = arith.muli %scan3A_275, %mul3A_421 : i32
        %get3A_423 = arith.constant 1 : i32
        %get3A_424 = arith.constant 13 : i32
        %get3A_425 = arith.index_cast %get3A_423 : i32 to index
        %get3A_426 = arith.index_cast %get3A_424 : i32 to index
        %get3A_427 = arith.index_cast %mul3A_422 : i32 to index
        %get3A_428 = tpu.vector_load %arg9[%get3A_425, %get3A_426, %get3A_427] {strides = array<i32>} : memref<2x16x800xf32, #tpu.memory_space<vmem>>, vector<16xf32>,
        %broadcast_in_dim3A_429 = arith.constant 13 : i32
        %broadcast_in_dim3A_430 = vector.broadcast %broadcast_in_dim3A_429 : i32 to vector<16xi32>
        tpu.vector_store_idx %arg10[%broadcast_in_dim3A_430, %and3A_290], %get3A_428 {add = true} : memref<16x16xf32, #tpu.memory_space<vmem>>[vector<16xi32>, vector<16xi32>], vector<16xf32>,
        %mul3A_431 = arith.constant 16 : i32
        %mul3A_432 = arith.muli %scan3A_275, %mul3A_431 : i32
        %get3A_433 = arith.constant 1 : i32
        %get3A_434 = arith.constant 14 : i32
        %get3A_435 = arith.index_cast %get3A_433 : i32 to index
        %get3A_436 = arith.index_cast %get3A_434 : i32 to index
        %get3A_437 = arith.index_cast %mul3A_432 : i32 to index
        %get3A_438 = tpu.vector_load %arg9[%get3A_435, %get3A_436, %get3A_437] {strides = array<i32>} : memref<2x16x800xf32, #tpu.memory_space<vmem>>, vector<16xf32>,
        %broadcast_in_dim3A_439 = arith.constant 14 : i32
        %broadcast_in_dim3A_440 = vector.broadcast %broadcast_in_dim3A_439 : i32 to vector<16xi32>
        tpu.vector_store_idx %arg10[%broadcast_in_dim3A_440, %and3A_290], %get3A_438 {add = true} : memref<16x16xf32, #tpu.memory_space<vmem>>[vector<16xi32>, vector<16xi32>], vector<16xf32>,
        %mul3A_441 = arith.constant 16 : i32
        %mul3A_442 = arith.muli %scan3A_275, %mul3A_441 : i32
        %get3A_443 = arith.constant 1 : i32
        %get3A_444 = arith.constant 15 : i32
        %get3A_445 = arith.index_cast %get3A_443 : i32 to index
        %get3A_446 = arith.index_cast %get3A_444 : i32 to index
        %get3A_447 = arith.index_cast %mul3A_442 : i32 to index
        %get3A_448 = tpu.vector_load %arg9[%get3A_445, %get3A_446, %get3A_447] {strides = array<i32>} : memref<2x16x800xf32, #tpu.memory_space<vmem>>, vector<16xf32>,
        %broadcast_in_dim3A_449 = arith.constant 15 : i32
        %broadcast_in_dim3A_450 = vector.broadcast %broadcast_in_dim3A_449 : i32 to vector<16xi32>
        tpu.vector_store_idx %arg10[%broadcast_in_dim3A_450, %and3A_290], %get3A_448 {add = true} : memref<16x16xf32, #tpu.memory_space<vmem>>[vector<16xi32>, vector<16xi32>], vector<16xf32>,
      }
      %scan3A_274 = arith.constant 50 : i32
    }
    %scan3A_165 = arith.constant 25 : i32
    "tpu.region"() ({
      %run_scoped3A = tpu.sem_alloc : memref<!tpu.dma_semaphore, #tpu.memory_space<semaphore_mem>>
      %dma_start3A_166 = arith.constant 0 : i32
      %dma_start3A_167 = arith.constant 0 : i32
      %dma_start3A_168 = tpu.memref_slice %arg5[%add3A, %dma_start3A_166, %dma_start3A_167] : memref<32x16x16xf32, #tpu.memory_space<hbm>> -> memref<1x16x16xf32, #tpu.memory_space<hbm>>
      %dma_start3A_169 = tpu.memref_squeeze %dma_start3A_168 : memref<1x16x16xf32, #tpu.memory_space<hbm>> -> memref<16x16xf32, #tpu.memory_space<hbm>>
      %dma_start3A_170 = arith.constant 0 : i32
      %dma_start3A_171 = arith.constant 0 : i32
      %dma_start3A_172 = tpu.memref_slice %arg5[%add3A, %dma_start3A_170, %dma_start3A_171] : memref<32x16x16xf32, #tpu.memory_space<hbm>> -> memref<1x16x16xf32, #tpu.memory_space<hbm>>
      %dma_start3A_173 = tpu.memref_squeeze %dma_start3A_172 : memref<1x16x16xf32, #tpu.memory_space<hbm>> -> memref<16x16xf32, #tpu.memory_space<hbm>>
      tpu.enqueue_dma source(%arg10 : memref<16x16xf32, #tpu.memory_space<vmem>>) target(%dma_start3A_173 : memref<16x16xf32, #tpu.memory_space<hbm>>) target_semaphore(%run_scoped3A : memref<!tpu.dma_semaphore, #tpu.memory_space<semaphore_mem>>)
      %dma_wait3A = arith.constant 0 : i32
      %dma_wait3A_174 = arith.constant 0 : i32
      %dma_wait3A_175 = tpu.memref_slice %arg5[%add3A, %dma_wait3A, %dma_wait3A_174] : memref<32x16x16xf32, #tpu.memory_space<hbm>> -> memref<1x16x16xf32, #tpu.memory_space<hbm>>
      %dma_wait3A_176 = tpu.memref_squeeze %dma_wait3A_175 : memref<1x16x16xf32, #tpu.memory_space<hbm>> -> memref<16x16xf32, #tpu.memory_space<hbm>>
      %dma_wait3A_177 = arith.constant 0 : i32
      %dma_wait3A_178 = arith.constant 0 : i32
      %dma_wait3A_179 = tpu.memref_slice %arg5[%add3A, %dma_wait3A_177, %dma_wait3A_178] : memref<32x16x16xf32, #tpu.memory_space<hbm>> -> memref<1x16x16xf32, #tpu.memory_space<hbm>>
      %dma_wait3A_180 = tpu.memref_squeeze %dma_wait3A_179 : memref<1x16x16xf32, #tpu.memory_space<hbm>> -> memref<16x16xf32, #tpu.memory_space<hbm>>
      tpu.wait_dma2 semaphore(%run_scoped3A : memref<!tpu.dma_semaphore, #tpu.memory_space<semaphore_mem>>) src(%arg10 : memref<16x16xf32, #tpu.memory_space<vmem>>) dst(%dma_wait3A_180 : memref<16x16xf32, #tpu.memory_space<hbm>>)
      tpu.yield
    }) : () -> ()
    "tpu.region"() ({
      %run_scoped3A = tpu.sem_alloc : memref<!tpu.dma_semaphore, #tpu.memory_space<semaphore_mem>>
      %dma_start3A_166 = arith.constant 0 : i32
      %dma_start3A_167 = arith.constant 0 : i32
      %dma_start3A_168 = tpu.memref_slice %arg6[%add3A, %dma_start3A_166, %dma_start3A_167] : memref<32x16x16xi32, #tpu.memory_space<hbm>> -> memref<1x16x16xi32, #tpu.memory_space<hbm>>
      %dma_start3A_169 = tpu.memref_squeeze %dma_start3A_168 : memref<1x16x16xi32, #tpu.memory_space<hbm>> -> memref<16x16xi32, #tpu.memory_space<hbm>>
      %dma_start3A_170 = arith.constant 0 : i32
      %dma_start3A_171 = arith.constant 0 : i32
      %dma_start3A_172 = tpu.memref_slice %arg6[%add3A, %dma_start3A_170, %dma_start3A_171] : memref<32x16x16xi32, #tpu.memory_space<hbm>> -> memref<1x16x16xi32, #tpu.memory_space<hbm>>
      %dma_start3A_173 = tpu.memref_squeeze %dma_start3A_172 : memref<1x16x16xi32, #tpu.memory_space<hbm>> -> memref<16x16xi32, #tpu.memory_space<hbm>>
      tpu.enqueue_dma source(%arg11 : memref<16x16xi32, #tpu.memory_space<vmem>>) target(%dma_start3A_173 : memref<16x16xi32, #tpu.memory_space<hbm>>) target_semaphore(%run_scoped3A : memref<!tpu.dma_semaphore, #tpu.memory_space<semaphore_mem>>)
      %dma_wait3A = arith.constant 0 : i32
      %dma_wait3A_174 = arith.constant 0 : i32
      %dma_wait3A_175 = tpu.memref_slice %arg6[%add3A, %dma_wait3A, %dma_wait3A_174] : memref<32x16x16xi32, #tpu.memory_space<hbm>> -> memref<1x16x16xi32, #tpu.memory_space<hbm>>
      %dma_wait3A_176 = tpu.memref_squeeze %dma_wait3A_175 : memref<1x16x16xi32, #tpu.memory_space<hbm>> -> memref<16x16xi32, #tpu.memory_space<hbm>>
      %dma_wait3A_177 = arith.constant 0 : i32
      %dma_wait3A_178 = arith.constant 0 : i32
      %dma_wait3A_179 = tpu.memref_slice %arg6[%add3A, %dma_wait3A_177, %dma_wait3A_178] : memref<32x16x16xi32, #tpu.memory_space<hbm>> -> memref<1x16x16xi32, #tpu.memory_space<hbm>>
      %dma_wait3A_180 = tpu.memref_squeeze %dma_wait3A_179 : memref<1x16x16xi32, #tpu.memory_space<hbm>> -> memref<16x16xi32, #tpu.memory_space<hbm>>
      tpu.wait_dma2 semaphore(%run_scoped3A : memref<!tpu.dma_semaphore, #tpu.memory_space<semaphore_mem>>) src(%arg11 : memref<16x16xi32, #tpu.memory_space<vmem>>) dst(%dma_wait3A_180 : memref<16x16xi32, #tpu.memory_space<hbm>>)
      tpu.yield
    }) : () -> ()
    return
  }
}

#map = affine_map<(d0, d1) -> (0, 0)>
#map1 = affine_map<(d0, d1) -> (0)>
#map2 = affine_map<(d0, d1) -> (0, 0, 0)>
module attributes {stable_mosaic.version = 14 : i64} {
  func.func @body(%arg0: i32, %arg1: i32, %arg2: memref<2x320000xi32, #tpu.memory_space<hbm>>, %arg3: memref<10000xi32, #tpu.memory_space<hbm>>, %arg4: memref<80000xi32, #tpu.memory_space<hbm>>, %arg5: memref<20x16x16xi32, #tpu.memory_space<hbm>>, %arg6: memref<10000xi32, #tpu.memory_space<vmem>>, %arg7: memref<16000xi32, #tpu.memory_space<vmem>>, %arg8: memref<4000xi32, #tpu.memory_space<vmem>>, %arg9: memref<16x16xi32, #tpu.memory_space<vmem>>) attributes {dimension_semantics = [#tpu.dimension_semantics<core_parallel>, #tpu.dimension_semantics<subcore_parallel>], iteration_bounds = array<i64: 2, 16>, scalar_prefetch = 0 : i64, scratch_operands = 4 : i64, tpu.core_type = #tpu.core_type<sc_vector_subcore>, window_params = [{transform_indices = #map}, {transform_indices = #map1}, {transform_indices = #map1}, {transform_indices = #map2}]} {
    %mul3A = arith.constant 2 : i32
    %mul3A_0 = arith.muli %arg1, %mul3A : i32
    %add3A = arith.addi %mul3A_0, %arg0 : i32
    %lt3A = arith.constant 20 : i32
    %lt3A_1 = arith.cmpi slt, %add3A, %lt3A : i32
    %convert_element_type3A = arith.extui %lt3A_1 : i1 to i32
    %cond3A = arith.constant 0 : i32
    %cond3A_2 = arith.cmpi ne, %convert_element_type3A, %cond3A : i32
    scf.if %cond3A_2 {
      "tpu.region"() ({
        %run_scoped3A_78 = tpu.sem_alloc : memref<!tpu.dma_semaphore, #tpu.memory_space<semaphore_mem>>
        tpu.enqueue_dma source(%arg3 : memref<10000xi32, #tpu.memory_space<hbm>>) target(%arg6 : memref<10000xi32, #tpu.memory_space<vmem>>) target_semaphore(%run_scoped3A_78 : memref<!tpu.dma_semaphore, #tpu.memory_space<semaphore_mem>>)
        tpu.wait_dma2 semaphore(%run_scoped3A_78 : memref<!tpu.dma_semaphore, #tpu.memory_space<semaphore_mem>>) src(%arg3 : memref<10000xi32, #tpu.memory_space<hbm>>) dst(%arg6 : memref<10000xi32, #tpu.memory_space<vmem>>)
        tpu.yield
      }) : () -> ()
      %mul3A_3 = arith.constant 16000 : i32
      %mul3A_4 = arith.muli %add3A, %mul3A_3 : i32
      %run_scoped3A = arith.constant 1 : i32
      "tpu.region"() ({
        %run_scoped3A_78 = tpu.sem_alloc : memref<!tpu.dma_semaphore, #tpu.memory_space<semaphore_mem>>
        %dma_start3A = tpu.memref_slice %arg2[%run_scoped3A, %mul3A_4] : memref<2x320000xi32, #tpu.memory_space<hbm>> -> memref<1x16000xi32, #tpu.memory_space<hbm>>
        %dma_start3A_79 = tpu.memref_squeeze %dma_start3A : memref<1x16000xi32, #tpu.memory_space<hbm>> -> memref<16000xi32, #tpu.memory_space<hbm>>
        %dma_start3A_80 = tpu.memref_slice %arg2[%run_scoped3A, %mul3A_4] : memref<2x320000xi32, #tpu.memory_space<hbm>> -> memref<1x16000xi32, #tpu.memory_space<hbm>>
        %dma_start3A_81 = tpu.memref_squeeze %dma_start3A_80 : memref<1x16000xi32, #tpu.memory_space<hbm>> -> memref<16000xi32, #tpu.memory_space<hbm>>
        tpu.enqueue_dma source(%dma_start3A_81 : memref<16000xi32, #tpu.memory_space<hbm>>) target(%arg7 : memref<16000xi32, #tpu.memory_space<vmem>>) target_semaphore(%run_scoped3A_78 : memref<!tpu.dma_semaphore, #tpu.memory_space<semaphore_mem>>)
        %dma_wait3A = tpu.memref_slice %arg2[%run_scoped3A, %mul3A_4] : memref<2x320000xi32, #tpu.memory_space<hbm>> -> memref<1x16000xi32, #tpu.memory_space<hbm>>
        %dma_wait3A_82 = tpu.memref_squeeze %dma_wait3A : memref<1x16000xi32, #tpu.memory_space<hbm>> -> memref<16000xi32, #tpu.memory_space<hbm>>
        %dma_wait3A_83 = tpu.memref_slice %arg2[%run_scoped3A, %mul3A_4] : memref<2x320000xi32, #tpu.memory_space<hbm>> -> memref<1x16000xi32, #tpu.memory_space<hbm>>
        %dma_wait3A_84 = tpu.memref_squeeze %dma_wait3A_83 : memref<1x16000xi32, #tpu.memory_space<hbm>> -> memref<16000xi32, #tpu.memory_space<hbm>>
        tpu.wait_dma2 semaphore(%run_scoped3A_78 : memref<!tpu.dma_semaphore, #tpu.memory_space<semaphore_mem>>) src(%dma_wait3A_84 : memref<16000xi32, #tpu.memory_space<hbm>>) dst(%arg7 : memref<16000xi32, #tpu.memory_space<vmem>>)
        tpu.yield
      }) : () -> ()
      %broadcast_in_dim3A = arith.constant 0 : i32
      %broadcast_in_dim3A_5 = vector.broadcast %broadcast_in_dim3A : i32 to vector<16xi32>
      %swap3A = arith.constant 0 : i32
      %swap3A_6 = arith.index_cast %swap3A : i32 to index
      %swap3A_7 = arith.constant 0 : index
      %swap3A_8 = tpu.vector_load %arg9[%swap3A_6, %swap3A_7] {strides = array<i32>} : memref<16x16xi32, #tpu.memory_space<vmem>>, vector<16xi32>,
      tpu.vector_store %arg9[%swap3A_6, %swap3A_7], %broadcast_in_dim3A_5 {strides = array<i32>} : memref<16x16xi32, #tpu.memory_space<vmem>>, vector<16xi32>,
      %swap3A_9 = arith.constant 1 : i32
      %swap3A_10 = arith.index_cast %swap3A_9 : i32 to index
      %swap3A_11 = arith.constant 0 : index
      %swap3A_12 = tpu.vector_load %arg9[%swap3A_10, %swap3A_11] {strides = array<i32>} : memref<16x16xi32, #tpu.memory_space<vmem>>, vector<16xi32>,
      tpu.vector_store %arg9[%swap3A_10, %swap3A_11], %broadcast_in_dim3A_5 {strides = array<i32>} : memref<16x16xi32, #tpu.memory_space<vmem>>, vector<16xi32>,
      %swap3A_13 = arith.constant 2 : i32
      %swap3A_14 = arith.index_cast %swap3A_13 : i32 to index
      %swap3A_15 = arith.constant 0 : index
      %swap3A_16 = tpu.vector_load %arg9[%swap3A_14, %swap3A_15] {strides = array<i32>} : memref<16x16xi32, #tpu.memory_space<vmem>>, vector<16xi32>,
      tpu.vector_store %arg9[%swap3A_14, %swap3A_15], %broadcast_in_dim3A_5 {strides = array<i32>} : memref<16x16xi32, #tpu.memory_space<vmem>>, vector<16xi32>,
      %swap3A_17 = arith.constant 3 : i32
      %swap3A_18 = arith.index_cast %swap3A_17 : i32 to index
      %swap3A_19 = arith.constant 0 : index
      %swap3A_20 = tpu.vector_load %arg9[%swap3A_18, %swap3A_19] {strides = array<i32>} : memref<16x16xi32, #tpu.memory_space<vmem>>, vector<16xi32>,
      tpu.vector_store %arg9[%swap3A_18, %swap3A_19], %broadcast_in_dim3A_5 {strides = array<i32>} : memref<16x16xi32, #tpu.memory_space<vmem>>, vector<16xi32>,
      %swap3A_21 = arith.constant 4 : i32
      %swap3A_22 = arith.index_cast %swap3A_21 : i32 to index
      %swap3A_23 = arith.constant 0 : index
      %swap3A_24 = tpu.vector_load %arg9[%swap3A_22, %swap3A_23] {strides = array<i32>} : memref<16x16xi32, #tpu.memory_space<vmem>>, vector<16xi32>,
      tpu.vector_store %arg9[%swap3A_22, %swap3A_23], %broadcast_in_dim3A_5 {strides = array<i32>} : memref<16x16xi32, #tpu.memory_space<vmem>>, vector<16xi32>,
      %swap3A_25 = arith.constant 5 : i32
      %swap3A_26 = arith.index_cast %swap3A_25 : i32 to index
      %swap3A_27 = arith.constant 0 : index
      %swap3A_28 = tpu.vector_load %arg9[%swap3A_26, %swap3A_27] {strides = array<i32>} : memref<16x16xi32, #tpu.memory_space<vmem>>, vector<16xi32>,
      tpu.vector_store %arg9[%swap3A_26, %swap3A_27], %broadcast_in_dim3A_5 {strides = array<i32>} : memref<16x16xi32, #tpu.memory_space<vmem>>, vector<16xi32>,
      %swap3A_29 = arith.constant 6 : i32
      %swap3A_30 = arith.index_cast %swap3A_29 : i32 to index
      %swap3A_31 = arith.constant 0 : index
      %swap3A_32 = tpu.vector_load %arg9[%swap3A_30, %swap3A_31] {strides = array<i32>} : memref<16x16xi32, #tpu.memory_space<vmem>>, vector<16xi32>,
      tpu.vector_store %arg9[%swap3A_30, %swap3A_31], %broadcast_in_dim3A_5 {strides = array<i32>} : memref<16x16xi32, #tpu.memory_space<vmem>>, vector<16xi32>,
      %swap3A_33 = arith.constant 7 : i32
      %swap3A_34 = arith.index_cast %swap3A_33 : i32 to index
      %swap3A_35 = arith.constant 0 : index
      %swap3A_36 = tpu.vector_load %arg9[%swap3A_34, %swap3A_35] {strides = array<i32>} : memref<16x16xi32, #tpu.memory_space<vmem>>, vector<16xi32>,
      tpu.vector_store %arg9[%swap3A_34, %swap3A_35], %broadcast_in_dim3A_5 {strides = array<i32>} : memref<16x16xi32, #tpu.memory_space<vmem>>, vector<16xi32>,
      %swap3A_37 = arith.constant 8 : i32
      %swap3A_38 = arith.index_cast %swap3A_37 : i32 to index
      %swap3A_39 = arith.constant 0 : index
      %swap3A_40 = tpu.vector_load %arg9[%swap3A_38, %swap3A_39] {strides = array<i32>} : memref<16x16xi32, #tpu.memory_space<vmem>>, vector<16xi32>,
      tpu.vector_store %arg9[%swap3A_38, %swap3A_39], %broadcast_in_dim3A_5 {strides = array<i32>} : memref<16x16xi32, #tpu.memory_space<vmem>>, vector<16xi32>,
      %swap3A_41 = arith.constant 9 : i32
      %swap3A_42 = arith.index_cast %swap3A_41 : i32 to index
      %swap3A_43 = arith.constant 0 : index
      %swap3A_44 = tpu.vector_load %arg9[%swap3A_42, %swap3A_43] {strides = array<i32>} : memref<16x16xi32, #tpu.memory_space<vmem>>, vector<16xi32>,
      tpu.vector_store %arg9[%swap3A_42, %swap3A_43], %broadcast_in_dim3A_5 {strides = array<i32>} : memref<16x16xi32, #tpu.memory_space<vmem>>, vector<16xi32>,
      %swap3A_45 = arith.constant 10 : i32
      %swap3A_46 = arith.index_cast %swap3A_45 : i32 to index
      %swap3A_47 = arith.constant 0 : index
      %swap3A_48 = tpu.vector_load %arg9[%swap3A_46, %swap3A_47] {strides = array<i32>} : memref<16x16xi32, #tpu.memory_space<vmem>>, vector<16xi32>,
      tpu.vector_store %arg9[%swap3A_46, %swap3A_47], %broadcast_in_dim3A_5 {strides = array<i32>} : memref<16x16xi32, #tpu.memory_space<vmem>>, vector<16xi32>,
      %swap3A_49 = arith.constant 11 : i32
      %swap3A_50 = arith.index_cast %swap3A_49 : i32 to index
      %swap3A_51 = arith.constant 0 : index
      %swap3A_52 = tpu.vector_load %arg9[%swap3A_50, %swap3A_51] {strides = array<i32>} : memref<16x16xi32, #tpu.memory_space<vmem>>, vector<16xi32>,
      tpu.vector_store %arg9[%swap3A_50, %swap3A_51], %broadcast_in_dim3A_5 {strides = array<i32>} : memref<16x16xi32, #tpu.memory_space<vmem>>, vector<16xi32>,
      %swap3A_53 = arith.constant 12 : i32
      %swap3A_54 = arith.index_cast %swap3A_53 : i32 to index
      %swap3A_55 = arith.constant 0 : index
      %swap3A_56 = tpu.vector_load %arg9[%swap3A_54, %swap3A_55] {strides = array<i32>} : memref<16x16xi32, #tpu.memory_space<vmem>>, vector<16xi32>,
      tpu.vector_store %arg9[%swap3A_54, %swap3A_55], %broadcast_in_dim3A_5 {strides = array<i32>} : memref<16x16xi32, #tpu.memory_space<vmem>>, vector<16xi32>,
      %swap3A_57 = arith.constant 13 : i32
      %swap3A_58 = arith.index_cast %swap3A_57 : i32 to index
      %swap3A_59 = arith.constant 0 : index
      %swap3A_60 = tpu.vector_load %arg9[%swap3A_58, %swap3A_59] {strides = array<i32>} : memref<16x16xi32, #tpu.memory_space<vmem>>, vector<16xi32>,
      tpu.vector_store %arg9[%swap3A_58, %swap3A_59], %broadcast_in_dim3A_5 {strides = array<i32>} : memref<16x16xi32, #tpu.memory_space<vmem>>, vector<16xi32>,
      %swap3A_61 = arith.constant 14 : i32
      %swap3A_62 = arith.index_cast %swap3A_61 : i32 to index
      %swap3A_63 = arith.constant 0 : index
      %swap3A_64 = tpu.vector_load %arg9[%swap3A_62, %swap3A_63] {strides = array<i32>} : memref<16x16xi32, #tpu.memory_space<vmem>>, vector<16xi32>,
      tpu.vector_store %arg9[%swap3A_62, %swap3A_63], %broadcast_in_dim3A_5 {strides = array<i32>} : memref<16x16xi32, #tpu.memory_space<vmem>>, vector<16xi32>,
      %swap3A_65 = arith.constant 15 : i32
      %swap3A_66 = arith.index_cast %swap3A_65 : i32 to index
      %swap3A_67 = arith.constant 0 : index
      %swap3A_68 = tpu.vector_load %arg9[%swap3A_66, %swap3A_67] {strides = array<i32>} : memref<16x16xi32, #tpu.memory_space<vmem>>, vector<16xi32>,
      tpu.vector_store %arg9[%swap3A_66, %swap3A_67], %broadcast_in_dim3A_5 {strides = array<i32>} : memref<16x16xi32, #tpu.memory_space<vmem>>, vector<16xi32>,
      %iota3A = tpu.iota {dimensions = array<i32: 0>} : vector<16xi32>
      %broadcast_in_dim3A_69 = arith.constant 1 : i32
      %broadcast_in_dim3A_70 = vector.broadcast %broadcast_in_dim3A_69 : i32 to vector<16xi32>
      %scan3A = arith.constant 0 : i32
      %scan3A_71 = arith.constant 0 : i32
      %scan3A_72 = arith.constant 250 : i32
      %scan3A_73 = arith.addi %scan3A_71, %scan3A_72 : i32
      %scan3A_74 = arith.constant 1 : i32
      scf.for %scan3A_78 = %scan3A_71 to %scan3A_73 step %scan3A_74  : i32 {
        %broadcast_in_dim3A_79 = arith.constant 0 : i32
        %broadcast_in_dim3A_80 = vector.broadcast %broadcast_in_dim3A_79 : i32 to vector<16xi32>
        %mul3A_81 = arith.constant 16 : i32
        %mul3A_82 = arith.muli %scan3A_78, %mul3A_81 : i32
        %add3A_83 = vector.broadcast %mul3A_82 : i32 to vector<16xi32>
        %add3A_84 = arith.addi %add3A_83, %iota3A : vector<16xi32>
        %mul3A_85 = arith.constant 4 : i32
        %mul3A_86 = vector.broadcast %mul3A_85 : i32 to vector<16xi32>
        %mul3A_87 = arith.muli %add3A_84, %mul3A_86 : vector<16xi32>
        %add3A_88 = arith.constant 0 : i32
        %add3A_89 = vector.broadcast %add3A_88 : i32 to vector<16xi32>
        %add3A_90 = arith.addi %mul3A_87, %add3A_89 : vector<16xi32>
        %gather3A = tpu.vector_load_idx %arg7[%add3A_90] : memref<16000xi32, #tpu.memory_space<vmem>>[vector<16xi32>], vector<16xi32>,
        %gather3A_91 = tpu.vector_load_idx %arg6[%gather3A] : memref<10000xi32, #tpu.memory_space<vmem>>[vector<16xi32>], vector<16xi32>,
        tpu.vector_store_idx %arg9[%gather3A_91, %iota3A], %broadcast_in_dim3A_70 {add = true} : memref<16x16xi32, #tpu.memory_space<vmem>>[vector<16xi32>, vector<16xi32>], vector<16xi32>,
        %shift_left3A = arith.constant 0 : i32
        %shift_left3A_92 = vector.broadcast %shift_left3A : i32 to vector<16xi32>
        %shift_left3A_93 = arith.shli %gather3A_91, %shift_left3A_92 : vector<16xi32>
        %or3A = arith.ori %broadcast_in_dim3A_80, %shift_left3A_93 : vector<16xi32>
        %mul3A_94 = arith.constant 16 : i32
        %mul3A_95 = arith.muli %scan3A_78, %mul3A_94 : i32
        %add3A_96 = vector.broadcast %mul3A_95 : i32 to vector<16xi32>
        %add3A_97 = arith.addi %add3A_96, %iota3A : vector<16xi32>
        %mul3A_98 = arith.constant 4 : i32
        %mul3A_99 = vector.broadcast %mul3A_98 : i32 to vector<16xi32>
        %mul3A_100 = arith.muli %add3A_97, %mul3A_99 : vector<16xi32>
        %add3A_101 = arith.constant 1 : i32
        %add3A_102 = vector.broadcast %add3A_101 : i32 to vector<16xi32>
        %add3A_103 = arith.addi %mul3A_100, %add3A_102 : vector<16xi32>
        %gather3A_104 = tpu.vector_load_idx %arg7[%add3A_103] : memref<16000xi32, #tpu.memory_space<vmem>>[vector<16xi32>], vector<16xi32>,
        %gather3A_105 = tpu.vector_load_idx %arg6[%gather3A_104] : memref<10000xi32, #tpu.memory_space<vmem>>[vector<16xi32>], vector<16xi32>,
        tpu.vector_store_idx %arg9[%gather3A_105, %iota3A], %broadcast_in_dim3A_70 {add = true} : memref<16x16xi32, #tpu.memory_space<vmem>>[vector<16xi32>, vector<16xi32>], vector<16xi32>,
        %shift_left3A_106 = arith.constant 8 : i32
        %shift_left3A_107 = vector.broadcast %shift_left3A_106 : i32 to vector<16xi32>
        %shift_left3A_108 = arith.shli %gather3A_105, %shift_left3A_107 : vector<16xi32>
        %or3A_109 = arith.ori %or3A, %shift_left3A_108 : vector<16xi32>
        %mul3A_110 = arith.constant 16 : i32
        %mul3A_111 = arith.muli %scan3A_78, %mul3A_110 : i32
        %add3A_112 = vector.broadcast %mul3A_111 : i32 to vector<16xi32>
        %add3A_113 = arith.addi %add3A_112, %iota3A : vector<16xi32>
        %mul3A_114 = arith.constant 4 : i32
        %mul3A_115 = vector.broadcast %mul3A_114 : i32 to vector<16xi32>
        %mul3A_116 = arith.muli %add3A_113, %mul3A_115 : vector<16xi32>
        %add3A_117 = arith.constant 2 : i32
        %add3A_118 = vector.broadcast %add3A_117 : i32 to vector<16xi32>
        %add3A_119 = arith.addi %mul3A_116, %add3A_118 : vector<16xi32>
        %gather3A_120 = tpu.vector_load_idx %arg7[%add3A_119] : memref<16000xi32, #tpu.memory_space<vmem>>[vector<16xi32>], vector<16xi32>,
        %gather3A_121 = tpu.vector_load_idx %arg6[%gather3A_120] : memref<10000xi32, #tpu.memory_space<vmem>>[vector<16xi32>], vector<16xi32>,
        tpu.vector_store_idx %arg9[%gather3A_121, %iota3A], %broadcast_in_dim3A_70 {add = true} : memref<16x16xi32, #tpu.memory_space<vmem>>[vector<16xi32>, vector<16xi32>], vector<16xi32>,
        %shift_left3A_122 = arith.constant 16 : i32
        %shift_left3A_123 = vector.broadcast %shift_left3A_122 : i32 to vector<16xi32>
        %shift_left3A_124 = arith.shli %gather3A_121, %shift_left3A_123 : vector<16xi32>
        %or3A_125 = arith.ori %or3A_109, %shift_left3A_124 : vector<16xi32>
        %mul3A_126 = arith.constant 16 : i32
        %mul3A_127 = arith.muli %scan3A_78, %mul3A_126 : i32
        %add3A_128 = vector.broadcast %mul3A_127 : i32 to vector<16xi32>
        %add3A_129 = arith.addi %add3A_128, %iota3A : vector<16xi32>
        %mul3A_130 = arith.constant 4 : i32
        %mul3A_131 = vector.broadcast %mul3A_130 : i32 to vector<16xi32>
        %mul3A_132 = arith.muli %add3A_129, %mul3A_131 : vector<16xi32>
        %add3A_133 = arith.constant 3 : i32
        %add3A_134 = vector.broadcast %add3A_133 : i32 to vector<16xi32>
        %add3A_135 = arith.addi %mul3A_132, %add3A_134 : vector<16xi32>
        %gather3A_136 = tpu.vector_load_idx %arg7[%add3A_135] : memref<16000xi32, #tpu.memory_space<vmem>>[vector<16xi32>], vector<16xi32>,
        %gather3A_137 = tpu.vector_load_idx %arg6[%gather3A_136] : memref<10000xi32, #tpu.memory_space<vmem>>[vector<16xi32>], vector<16xi32>,
        tpu.vector_store_idx %arg9[%gather3A_137, %iota3A], %broadcast_in_dim3A_70 {add = true} : memref<16x16xi32, #tpu.memory_space<vmem>>[vector<16xi32>, vector<16xi32>], vector<16xi32>,
        %shift_left3A_138 = arith.constant 24 : i32
        %shift_left3A_139 = vector.broadcast %shift_left3A_138 : i32 to vector<16xi32>
        %shift_left3A_140 = arith.shli %gather3A_137, %shift_left3A_139 : vector<16xi32>
        %or3A_141 = arith.ori %or3A_125, %shift_left3A_140 : vector<16xi32>
        %mul3A_142 = arith.constant 16 : i32
        %mul3A_143 = arith.muli %scan3A_78, %mul3A_142 : i32
        %swap3A_144 = arith.index_cast %mul3A_143 : i32 to index
        %swap3A_145 = tpu.vector_load %arg8[%swap3A_144] {strides = array<i32>} : memref<4000xi32, #tpu.memory_space<vmem>>, vector<16xi32>,
        tpu.vector_store %arg8[%swap3A_144], %or3A_141 {strides = array<i32>} : memref<4000xi32, #tpu.memory_space<vmem>>, vector<16xi32>,
      }
      %scan3A_75 = arith.constant 250 : i32
      %mul3A_76 = arith.constant 4000 : i32
      %mul3A_77 = arith.muli %add3A, %mul3A_76 : i32
      "tpu.region"() ({
        %run_scoped3A_78 = tpu.sem_alloc : memref<!tpu.dma_semaphore, #tpu.memory_space<semaphore_mem>>
        %dma_start3A = tpu.memref_slice %arg4[%mul3A_77] : memref<80000xi32, #tpu.memory_space<hbm>> -> memref<4000xi32, #tpu.memory_space<hbm>>
        %dma_start3A_79 = tpu.memref_slice %arg4[%mul3A_77] : memref<80000xi32, #tpu.memory_space<hbm>> -> memref<4000xi32, #tpu.memory_space<hbm>>
        tpu.enqueue_dma source(%arg8 : memref<4000xi32, #tpu.memory_space<vmem>>) target(%dma_start3A_79 : memref<4000xi32, #tpu.memory_space<hbm>>) target_semaphore(%run_scoped3A_78 : memref<!tpu.dma_semaphore, #tpu.memory_space<semaphore_mem>>)
        %dma_wait3A = tpu.memref_slice %arg4[%mul3A_77] : memref<80000xi32, #tpu.memory_space<hbm>> -> memref<4000xi32, #tpu.memory_space<hbm>>
        %dma_wait3A_80 = tpu.memref_slice %arg4[%mul3A_77] : memref<80000xi32, #tpu.memory_space<hbm>> -> memref<4000xi32, #tpu.memory_space<hbm>>
        tpu.wait_dma2 semaphore(%run_scoped3A_78 : memref<!tpu.dma_semaphore, #tpu.memory_space<semaphore_mem>>) src(%arg8 : memref<4000xi32, #tpu.memory_space<vmem>>) dst(%dma_wait3A_80 : memref<4000xi32, #tpu.memory_space<hbm>>)
        tpu.yield
      }) : () -> ()
      "tpu.region"() ({
        %run_scoped3A_78 = tpu.sem_alloc : memref<!tpu.dma_semaphore, #tpu.memory_space<semaphore_mem>>
        %dma_start3A = arith.constant 0 : i32
        %dma_start3A_79 = arith.constant 0 : i32
        %dma_start3A_80 = tpu.memref_slice %arg5[%add3A, %dma_start3A, %dma_start3A_79] : memref<20x16x16xi32, #tpu.memory_space<hbm>> -> memref<1x16x16xi32, #tpu.memory_space<hbm>>
        %dma_start3A_81 = tpu.memref_squeeze %dma_start3A_80 : memref<1x16x16xi32, #tpu.memory_space<hbm>> -> memref<16x16xi32, #tpu.memory_space<hbm>>
        %dma_start3A_82 = arith.constant 0 : i32
        %dma_start3A_83 = arith.constant 0 : i32
        %dma_start3A_84 = tpu.memref_slice %arg5[%add3A, %dma_start3A_82, %dma_start3A_83] : memref<20x16x16xi32, #tpu.memory_space<hbm>> -> memref<1x16x16xi32, #tpu.memory_space<hbm>>
        %dma_start3A_85 = tpu.memref_squeeze %dma_start3A_84 : memref<1x16x16xi32, #tpu.memory_space<hbm>> -> memref<16x16xi32, #tpu.memory_space<hbm>>
        tpu.enqueue_dma source(%arg9 : memref<16x16xi32, #tpu.memory_space<vmem>>) target(%dma_start3A_85 : memref<16x16xi32, #tpu.memory_space<hbm>>) target_semaphore(%run_scoped3A_78 : memref<!tpu.dma_semaphore, #tpu.memory_space<semaphore_mem>>)
        %dma_wait3A = arith.constant 0 : i32
        %dma_wait3A_86 = arith.constant 0 : i32
        %dma_wait3A_87 = tpu.memref_slice %arg5[%add3A, %dma_wait3A, %dma_wait3A_86] : memref<20x16x16xi32, #tpu.memory_space<hbm>> -> memref<1x16x16xi32, #tpu.memory_space<hbm>>
        %dma_wait3A_88 = tpu.memref_squeeze %dma_wait3A_87 : memref<1x16x16xi32, #tpu.memory_space<hbm>> -> memref<16x16xi32, #tpu.memory_space<hbm>>
        %dma_wait3A_89 = arith.constant 0 : i32
        %dma_wait3A_90 = arith.constant 0 : i32
        %dma_wait3A_91 = tpu.memref_slice %arg5[%add3A, %dma_wait3A_89, %dma_wait3A_90] : memref<20x16x16xi32, #tpu.memory_space<hbm>> -> memref<1x16x16xi32, #tpu.memory_space<hbm>>
        %dma_wait3A_92 = tpu.memref_squeeze %dma_wait3A_91 : memref<1x16x16xi32, #tpu.memory_space<hbm>> -> memref<16x16xi32, #tpu.memory_space<hbm>>
        tpu.wait_dma2 semaphore(%run_scoped3A_78 : memref<!tpu.dma_semaphore, #tpu.memory_space<semaphore_mem>>) src(%arg9 : memref<16x16xi32, #tpu.memory_space<vmem>>) dst(%dma_wait3A_92 : memref<16x16xi32, #tpu.memory_space<hbm>>)
        tpu.yield
      }) : () -> ()
    } else {
    }
    return
  }
}

module attributes {stable_mosaic.version = 14 : i64} {
  func.func @body(%arg0: memref<32x16x16xf32, #tpu.memory_space<vmem>>, %arg1: memref<20x16x16xi32, #tpu.memory_space<vmem>>, %arg2: memref<32x16x16xi32, #tpu.memory_space<vmem>>, %arg3: memref<16x128xf32, #tpu.memory_space<vmem>>, %arg4: memref<1x128xf32, #tpu.memory_space<vmem>>, %arg5: memref<16x16xf32, #tpu.memory_space<vmem>>, %arg6: memref<1x16xf32, #tpu.memory_space<vmem>>, %arg7: memref<16x128xf32, #tpu.memory_space<vmem>>) attributes {dimension_semantics = [], scalar_prefetch = 0 : i64, scratch_operands = 0 : i64, tpu.core_type = #tpu.core_type<tc>} {
    %get3A = arith.constant 0 : index
    %get3A_0 = arith.constant 0 : index
    %get3A_1 = arith.constant 0 : index
    %get3A_2 = vector.load %arg0[%get3A, %get3A_0, %get3A_1] : memref<32x16x16xf32, #tpu.memory_space<vmem>>, vector<32x16x16xf32>
    %reduce_sum3A = arith.constant dense<0.000000e+00> : vector<16x16xf32>
    %reduce_sum3A_3 = vector.multi_reduction <add>, %get3A_2, %reduce_sum3A [0] : vector<32x16x16xf32> to vector<16x16xf32>
    %get3A_4 = arith.constant 0 : index
    %get3A_5 = arith.constant 0 : index
    %get3A_6 = arith.constant 0 : index
    %get3A_7 = vector.load %arg1[%get3A_4, %get3A_5, %get3A_6] : memref<20x16x16xi32, #tpu.memory_space<vmem>>, vector<20x16x16xi32>
    %reduce_sum3A_8 = arith.constant dense<0> : vector<16xi32>
    %reduce_sum3A_9 = vector.multi_reduction <add>, %get3A_7, %reduce_sum3A_8 [0, 2] : vector<20x16x16xi32> to vector<16xi32>
    %convert_element_type3A = arith.sitofp %reduce_sum3A_9 : vector<16xi32> to vector<16xf32>
    %get3A_10 = arith.constant 0 : index
    %get3A_11 = arith.constant 0 : index
    %get3A_12 = arith.constant 0 : index
    %get3A_13 = vector.load %arg2[%get3A_10, %get3A_11, %get3A_12] : memref<32x16x16xi32, #tpu.memory_space<vmem>>, vector<32x16x16xi32>
    %reduce_sum3A_14 = arith.constant dense<0> : vector<16xi32>
    %reduce_sum3A_15 = vector.multi_reduction <add>, %get3A_13, %reduce_sum3A_14 [0, 2] : vector<32x16x16xi32> to vector<16xi32>
    %convert_element_type3A_16 = arith.sitofp %reduce_sum3A_15 : vector<16xi32> to vector<16xf32>
    %get3A_17 = arith.constant 0 : index
    %get3A_18 = arith.constant 0 : index
    %get3A_19 = vector.load %arg5[%get3A_17, %get3A_18] : memref<16x16xf32, #tpu.memory_space<vmem>>, vector<16x16xf32>
    %dot_general3A = arith.constant dense<0.000000e+00> : vector<16x16xf32>
    %dot_general3A_20 = tpu.matmul %reduce_sum3A_3, %get3A_19, %dot_general3A {dimension_numbers = #tpu.dot_dimension_numbers<[0], [0], [1], [1], [0, 1, 1, 1], [], []>, transpose_lhs_hint = false} : vector<16x16xf32>, vector<16x16xf32>, vector<16x16xf32> -> vector<16x16xf32>
    %broadcast_in_dim3A = vector.shape_cast %convert_element_type3A_16 : vector<16xf32> to vector<16x1xf32>
    %get3A_21 = arith.constant 0 : index
    %get3A_22 = arith.constant 0 : index
    %get3A_23 = vector.load %arg6[%get3A_21, %get3A_22] : memref<1x16xf32, #tpu.memory_space<vmem>>, vector<1x16xf32>
    %mul3A = vector.broadcast %broadcast_in_dim3A : vector<16x1xf32> to vector<16x16xf32>
    %mul3A_24 = vector.broadcast %get3A_23 : vector<1x16xf32> to vector<16x16xf32>
    %mul3A_25 = arith.mulf %mul3A, %mul3A_24 : vector<16x16xf32>
    %add3A = arith.addf %dot_general3A_20, %mul3A_25 : vector<16x16xf32>
    %get3A_26 = arith.constant 0 : index
    %get3A_27 = arith.constant 0 : index
    %get3A_28 = vector.load %arg3[%get3A_26, %get3A_27] : memref<16x128xf32, #tpu.memory_space<vmem>>, vector<16x128xf32>
    %dot_general3A_29 = arith.constant dense<0.000000e+00> : vector<16x128xf32>
    %dot_general3A_30 = tpu.matmul %add3A, %get3A_28, %dot_general3A_29 {dimension_numbers = #tpu.dot_dimension_numbers<[1], [0], [0], [1], [0, 0, 1, 1], [], []>, transpose_lhs_hint = false} : vector<16x16xf32>, vector<16x128xf32>, vector<16x128xf32> -> vector<16x128xf32>
    %broadcast_in_dim3A_31 = vector.shape_cast %convert_element_type3A : vector<16xf32> to vector<16x1xf32>
    %get3A_32 = arith.constant 0 : index
    %get3A_33 = arith.constant 0 : index
    %get3A_34 = vector.load %arg4[%get3A_32, %get3A_33] : memref<1x128xf32, #tpu.memory_space<vmem>>, vector<1x128xf32>
    %mul3A_35 = vector.broadcast %broadcast_in_dim3A_31 : vector<16x1xf32> to vector<16x128xf32>
    %mul3A_36 = vector.broadcast %get3A_34 : vector<1x128xf32> to vector<16x128xf32>
    %mul3A_37 = arith.mulf %mul3A_35, %mul3A_36 : vector<16x128xf32>
    %add3A_38 = arith.addf %dot_general3A_30, %mul3A_37 : vector<16x128xf32>
    %mul3A_39 = arith.constant 5.000000e-01 : f32
    %mul3A_40 = vector.broadcast %mul3A_39 : f32 to vector<16x128xf32>
    %mul3A_41 = arith.mulf %add3A_38, %mul3A_40 : vector<16x128xf32>
    %swap3A = arith.constant 0 : index
    %swap3A_42 = arith.constant 0 : index
    %swap3A_43 = vector.load %arg7[%swap3A, %swap3A_42] : memref<16x128xf32, #tpu.memory_space<vmem>>, vector<16x128xf32>
    tpu.vector_store %arg7[%swap3A, %swap3A_42], %mul3A_41 {strides = array<i32>} : memref<16x128xf32, #tpu.memory_space<vmem>>, vector<16x128xf32>,
    return
  }
}

</mosaic_0001>

<sc_bundles>
// kernel: kernel.5.cloned.1.call-start
scs
__scs_entry_jumppad:
0x0: {  	(pc) =	sbr.rel $0x88, $3  }
0x1: {  	(tag) =	ssettag $0x0;
	lr =	simm.s32 $0x1  }
0x2: {  	[smem:$0x3F99] =	sst lr;
	_ =	strace $0xD0000000  }
0x3: {  	_ = 	snop  }
0x4: {  	_ = 	snop  }
0x5: {  	_ = 	snop  }
0x6: {  	_ = 	snop  }
0x7: {  	_ = 	snop  }
__scs_overlays_trampoline_lowered:
0x8: {  	[smem:$0x3FA8] =	sst s0  }
0x9: {  	[smem:$0x3FA9] =	sst s1  }
0xa: {  	[smem:$0x3FAA] =	sst s2  }
0xb: {  	[smem:$0x3FAB] =	sst s3  }
0xc: {  	[smem:$0x3FAC] =	sst s4  }
0xd: {  	[smem:$0x3FAD] =	sst s5  }
0xe: {  	[smem:$0x3FAE] =	sst s6  }
0xf: {  	[smem:$0x3FAF] =	sst s7  }
0x10: {  	[smem:$0x3FB0] =	sst s8  }
0x11: {  	[smem:$0x3FB1] =	sst s9;
	s0 =	simm.s32 @!p0 $0x0  }
0x12: {  	s1 =	sld [smem:$0x3F97];
	s0 =	simm.s32 @p0 $0x1  }
0x13: {  	[smem:$0x3FB2] =	sst s0;
	s0 =	simm.s32 @!p1 $0x0  }
0x14: {  	s2 =	sld [smem:$0x3F96];
	s0 =	simm.s32 @p1 $0x1  }
0x15: {  	[smem:$0x3FB3] =	sst s0;
	s0 =	simm.s32 @!p2 $0x0  }
0x16: {  	s3 =	sld [smem:$0x3FDB];
	s0 =	simm.s32 @p2 $0x1  }
0x17: {  	s4 =	simm.s32 $0x1BF5;
	[smem:$0x3FB5] =	sst s0  }
0x18: {  	s0 =	sld [smem:$0x3F98];
	_ =	swait.ge [sflag:s4], $0x0  }
0x19: {  	s7 =	sld [smem:$0x3F99]  }
0x1a: {  	s8 =	sadd.s32 $0xFFFFE003, lr  }
0x1b: {  	s9 =	sadd.s32 $0xFFFFFEF7, lr;
	s5 =	simm.s32 $0xFFFFFFFF;
	p2 =	slt.u32 s8, $0xFFFFF086  }
0x1c: {  	p1 =	slt.u32 s9, $0xF7A;
	s5 =	simm.s32 @!p2 $0x0  }
0x1d: {  	s5 =	simm.s32 @p1 $0x1;
	p0 =	seq.s32 s7, s2  }
0x1e: {  	s7 =	smul.u32 @!p0 $0xF7A, s2;
	p2 =	seq.s32 @!p0 s5, $0x0  }
0x1f: {  	s9 =	smul.u32 $0xF7A, s1;
	s8 =	simm.s32 @!p0 $0x1BF5;
	p2 =	por !p2, p0  }
0x20: {  	[sflag:s8] =	ssyncset.s32 @!p0 $0xFFFFF086;
	s6 =	sadd.s32 @!p0 s3, s7;
	s7 =	simm.s32 @!p0 $0x108  }
0x21: {  	s3 =	sadd.s32 s3, s9;
	s6 =	sadd.s32 @!p0 $0x88, s6;
	s7 =	simm.s32 @p2 $0x1082  }
0x22: {  	[simem:s7], [sflag:s8] =	dma.local @!p0 [hbm:s6], $0xF7A  }
0x23: {  	s9 =	sor.u32 $0xD0000000, s2;
	s6 =	simm.s32 $0x108;
	_ =	swait.ge @!p0 [sflag:s8], $0x0  }
0x24: {  	s3 =	sadd.s32 $0x88, s3;
	s6 =	simm.s32 @!p1 $0x1082;
	[sflag:s4] =	ssyncset.s32 $0xFFFFF086  }
0x25: {  	[simem:s6], [sflag:s4] =	dma.local [hbm:s3], $0xF7A  }
0x26: {  	[smem:$0x3F99] =	sst s1;
	(tag) =	ssettag s2;
	_ =	strace s9  }
0x27: {  	s1 =	sld [smem:$0x3FA9]  }
0x28: {  	s2 =	sld [smem:$0x3FAA]  }
0x29: {  	s4 =	sld [smem:$0x3FAC]  }
0x2a: {  	p0 =	seq.s32 s5, $0x0;
	s5 =	sld [smem:$0x3FAD]  }
0x2b: {  	s6 =	sld [smem:$0x3FAE]  }
0x2c: {  	s7 =	sld [smem:$0x3FAF]  }
0x2d: {  	s3 =	simm.s32 $0x108;
	s8 =	sld [smem:$0x3FB0]  }
0x2e: {  	s3 =	simm.s32 @!p0 $0x1082;
	s9 =	sld [smem:$0x3FB1]  }
0x2f: {  	lr =	sadd.s32 s0, s3;
	s0 =	sld [smem:$0x3FA8]  }
0x30: {  	s3 =	sld [smem:$0x3FAB]  }
0x31: {  	[smem:$0x3FB4] =	sst s10  }
0x32: {  	s10 =	sld [smem:$0x3FB2];
	_ =	sdelay $0x3  }
0x33: {  	p0 =	seq.s32 s10, $0x1;
	s10 =	sld [smem:$0x3FB4];
	_ =	sdelay $0x3  }
0x34: {  	[smem:$0x3FB4] =	sst s10  }
0x35: {  	s10 =	sld [smem:$0x3FB3];
	_ =	sdelay $0x3  }
0x36: {  	p1 =	seq.s32 s10, $0x1;
	s10 =	sld [smem:$0x3FB4];
	_ =	sdelay $0x3  }
0x37: {  	[smem:$0x3FB4] =	sst s10  }
0x38: {  	s10 =	sld [smem:$0x3FB5]  }
0x39: {  	_ = 	snop;
	(pc) =	sbr.ind lr, $3  }
0x3a: {  	_ = 	snop  }
0x3b: {  	_ = 	snop  }
0x3c: {  	p2 =	seq.s32 s10, $0x1;
	s10 =	sld [smem:$0x3FB4]  }
0x3d: {  	_ =	shalt  }
0x3e: {  	_ =	shalt  }
0x3f: {  	_ =	shalt  }
0x40: {  	_ =	shalt  }
0x41: {  	_ =	shalt  }
0x42: {  	_ =	shalt  }
0x43: {  	_ =	shalt  }
0x44: {  	_ =	shalt  }
0x45: {  	_ =	shalt  }
0x46: {  	_ =	shalt  }
0x47: {  	_ =	shalt  }
0x48: {  	_ =	shalt  }
0x49: {  	_ =	shalt  }
0x4a: {  	_ =	shalt  }
0x4b: {  	_ =	shalt  }
0x4c: {  	_ =	shalt  }
0x4d: {  	_ =	shalt  }
0x4e: {  	_ =	shalt  }
0x4f: {  	_ =	shalt  }
0x50: {  	_ =	shalt  }
0x51: {  	_ =	shalt  }
0x52: {  	_ =	shalt  }
0x53: {  	_ =	shalt  }
0x54: {  	_ =	shalt  }
0x55: {  	_ =	shalt  }
0x56: {  	_ =	shalt  }
0x57: {  	_ =	shalt  }
0x58: {  	_ =	shalt  }
0x59: {  	_ =	shalt  }
0x5a: {  	_ =	shalt  }
0x5b: {  	_ =	shalt  }
0x5c: {  	_ =	shalt  }
0x5d: {  	_ =	shalt  }
0x5e: {  	_ =	shalt  }
0x5f: {  	_ =	shalt  }
0x60: {  	_ =	shalt  }
0x61: {  	_ =	shalt  }
0x62: {  	_ =	shalt  }
0x63: {  	_ =	shalt  }
0x64: {  	_ =	shalt  }
0x65: {  	_ =	shalt  }
0x66: {  	_ =	shalt  }
0x67: {  	_ =	shalt  }
0x68: {  	_ =	shalt  }
0x69: {  	_ =	shalt  }
0x6a: {  	_ =	shalt  }
0x6b: {  	_ =	shalt  }
0x6c: {  	_ =	shalt  }
0x6d: {  	_ =	shalt  }
0x6e: {  	_ =	shalt  }
0x6f: {  	_ =	shalt  }
0x70: {  	_ =	shalt  }
0x71: {  	_ =	shalt  }
0x72: {  	_ =	shalt  }
0x73: {  	_ =	shalt  }
0x74: {  	_ =	shalt  }
0x75: {  	_ =	shalt  }
0x76: {  	_ =	shalt  }
0x77: {  	_ =	shalt  }
0x78: {  	_ =	shalt  }
0x79: {  	_ =	shalt  }
0x7a: {  	_ =	shalt  }
0x7b: {  	_ =	shalt  }
0x7c: {  	_ =	shalt  }
0x7d: {  	_ =	shalt  }
0x7e: {  	_ =	shalt  }
0x7f: {  	_ =	shalt  }
0x80: {  	_ =	shalt  }
0x81: {  	_ =	shalt  }
0x82: {  	_ =	shalt  }
0x83: {  	_ =	shalt  }
0x84: {  	_ =	shalt  }
0x85: {  	_ =	shalt  }
0x86: {  	_ =	shalt  }
0x87: {  	_ =	shalt  }
.Lfunc_end0:
.L_simem_size_0:
called_computation.1_lowered:
.L_overlay_start_0:
0x88: {  	s2 =	sld [smem:$0x3FD9]  }
0x89: {  	s3 =	sld [smem:$0x3FFE];
	_ =	sdelay $0x1  }
0x8a: {  	s1 =	srdreg.scid  }
0x8b: {  	s0 =	sand.u32 $0x1, s1  }
0x8c: {  	s17 =	sshll.u32 s0, $0xA;
	s2 =	sadd.s32 s3, s2  }
0x8d: {  	s2 =	sadd.s32 s2, s17  }
0x8e: {  	[smem:$0x3FC0] =	sst s2  }
0x8f: {  	_ = 	snop  }
0x90: {  	s18 =	sld [smem:$0x3FC7];
	(tm) =	ssettm $0x1  }
0x91: {  	s19 =	sld [smem:$0x3FFB];
	_ =	sdelay $0x3  }
0x92: {  	_ =	strace s19  }
0x93: {  	s2 =	sld [smem:$0x3FFC];
	_ =	sdelay $0x3  }
0x94: {  	_ =	strace s2  }
0x95: {  	s2 =	sld [smem:$0x3FFD];
	_ =	sdelay $0x3  }
0x96: {  	_ =	strace s2  }
0x97: {  	_ =	strace $0x8FFFFFFF  }
0x98: {  	s20 =	sld [smem:$0x3FDB];
	_ =	sdelay $0x1  }
0x99: {  	s4 =	simm.s32 $_scs_section_size  }
0x9a: {  	s5 =	simm.s32 $_size__tile_overlayer_lowered;
	s6 =	simm.s32 $_tile_overlayer_lowered  }
0x9b: {  	s7 =	simm.s32 $0x1BFF;
	s21 =	sshll.u32 s6, $0x1;
	s4 =	sadd.s32 s4, s20  }
0x9c: {  	s22 =	simm.s32 $0x0;
	s5 =	sshll.u32 s5, $0x1;
	s6 =	sadd.s32 s21, s4  }
0x9d: {  	[timem:s22], [sflag:s7] =	dma.local [hbm:s6], s5  }
0x9e: {  	_ =	swait.ge [sflag:s7], s5  }
0x9f: {  	s5 =	ssub.s32 $0x0, s5;
	[sflag:s7] =	ssyncset.done $0x0  }
0xa0: {  	[sflag:s7] =	ssyncadd.s32 s5;
	_ =	sdelay $0x1  }
0xa1: {  	s23 =	simm.s32 $0x1B8B  }
0xa2: {  	_ =	swait.ge [sflag:s23], $0x1  }
0xa3: {  	[sflag:s23] =	ssyncset.done $0x0  }
0xa4: {  	[sflag:s23] =	ssyncadd.s32 $0xFFFFFFFF  }
0xa5: {  	s5 =	sld [smem:$0x0]  }
0xa6: {  	s6 =	sand.u32 $0xFFFFFFFE, s1  }
0xa7: {  	p0 =	sne.s32 s1, s6  }
0xa8: {  	s6 =	sshll.u32 @p0 s6, $0xE  }
0xa9: {  	s6 =	sadd.s32 @p0 $0x11B8D, s6;
	s7 =	sshll.u32 @p0 s5, $0x11  }
0xaa: {  	s6 =	sor.u32 @p0 s7, s6  }
0xab: {  	[sflag:s6] =	ssyncadd.remote.s32 @p0 $0x1;
	_ =	sdelay $0x1  }
0xac: {  	s6 =	simm.s32 @p0 $0x1B8D  }
0xad: {  	_ =	swait.eq @p0 [sflag:s6], $0x1  }
0xae: {  	[sflag:s6] =	ssyncadd.s32 @p0 $0xFFFFFFFF  }
0xaf: {  	s7 =	sshll.u32 @!p0 s1, $0xE  }
0xb0: {  	s7 =	sor.u32 @!p0 $0x4000, s7;
	s6 =	simm.s32 @!p0 $0x1B8D  }
0xb1: {  	s5 =	sshll.u32 @!p0 s5, $0x11;
	s7 =	sadd.s32 @!p0 $0x11B8D, s7;
	_ =	swait.eq @!p0 [sflag:s6], $0x1  }
0xb2: {  	s5 =	sor.u32 @!p0 s5, s7;
	[sflag:s6] =	ssyncadd.s32 @!p0 $0xFFFFFFFF  }
0xb3: {  	s25 =	simm.s32 $0x1B8E;
	s24 =	sld [smem:$0x3FFE];
	[sflag:s5] =	ssyncadd.remote.s32 @!p0 $0x1  }
0xb4: {  	s26 =	simm.s32 $execute0_lowered;
	[smem:$0x3FD2] =	sst s25  }
0xb5: {  	s6 =	sshll.u32 s26, $0x1;
	_ =	strace $0x80000049;
	[dreg:$0x1] =	wrdreg $0xFFFFFFFF  }
0xb6: {  	s28 =	simm.s32 $_size_execute0_lowered;
	s4 =	sadd.s32 s4, s6;
	[dreg:$0x0] =	wrdreg $0x0  }
0xb7: {  	s6 =	sshll.u32 s28, $0x1;
	[dreg:$0x2] =	wrdreg s4  }
0xb8: {  	[dreg:$0x3] =	wrdreg s6  }
0xb9: {  	[dreg:$0x4] =	wrdreg $0xC0  }
0xba: {  	_ =	task [dreg:s22], $0x5FFFF  }
0xbb: {  	[dreg:$0x1] =	wrdreg $0xFFFFFFFF  }
0xbc: {  	[dreg:$0x0] =	wrdreg $0x60  }
0xbd: {  	[dreg:$0x2] =	wrdreg s24  }
0xbe: {  	[dreg:$0x3] =	wrdreg s18  }
0xbf: {  	[dreg:$0x4] =	wrdreg $0xA  }
0xc0: {  	_ =	task.clear_ibuf [dreg:s22], $0x5FFFF;
	_ =	strace $0x90000049  }
0xc1: {  	s29 =	simm.s32 $0xA;
	_ =	strace $0x8000004B  }
0xc2: {  	_ =	swait.ge [sflag:s29], $0x1  }
0xc3: {  	[sflag:s29] =	ssyncadd.s32 $0xFFFFFFFF  }
0xc4: {  	_ =	strace $0x9000004B  }
0xc5: {  	_ =	sfence  }
0xc6: {  	s30 =	sld [smem:$0x0];
	_ =	sdelay $0x2  }
0xc7: {  	s31 =	sshll.u32 s1, $0xD;
	s1 =	sshrl.u32 s1, $0x2  }
0xc8: {  	s4 =	sand.u32 $0x4000, s31;
	s1 =	sadd.s32 s1, s30  }
0xc9: {  	s0 =	sor.u32 s4, s0;
	s1 =	sshll.u32 s1, $0x11  }
0xca: {  	s0 =	sor.u32 s1, s0  }
0xcb: {  	s0 =	sadd.s32 $0x8F2B, s0  }
0xcc: {  	[sflag:s0] =	ssyncadd.remote.s32 $0x1  }
0xcd: {  	_ =	sfence.sel $0xFFFF  }
0xce: {  	[dreg:$0x0] =	wrdreg $0xFFFFFFFF;
	(pc) =	sbr.abs _section_cstart, $3  }
0xcf: {  	[dreg:$0x1] =	wrdreg $0xFFFFFFFF  }
0xd0: {  	_ =	task.clear_ibuf [dreg:s22], $0x2FFFF;
	_ =	strace $0x9FFFFFFF  }
0xd1: {  	(tm) =	ssettm $0x7FFFFFFF  }
tec
execute0_lowered:
.L_overlay_start_1:
0x0: {  	(tag) =	ssettag $0x1  }
0x1: {  	s1 =	stileid.u32  }
0x2: {  	p0 =	sgt.u32 s1, $0x9  }
.Ltmp0:
0x3: {  	_ = 	snop;
	(pc) =	sbr.rel @p0 .LBB2_5-.Ltmp0, $4  }
0x4: {  	s4 =	rddreg [dreg:$0x0]  }
0x5: {  	s2 =	rddreg [dreg:$0x1];
	s3 =	simm.s32 $0x0  }
0x6: {  	[smem:$0x7FF] =	sst s3  }
0x7: {  	s0 =	rddreg [dreg:$0x2];
	_ =	strace $0x8000004A  }
0x8: {  	s5 =	srdreg.scid  }
0x9: {  	s6 =	sshll.u32 s1, $0x1;
	s5 =	sand.u32 $0x1, s5  }
0xa: {  	s10 =	simm.s32 $0x7530;
	s6 =	sor.u32 s5, s6  }
0xb: {  	s11 =	simm.s32 $0x6590;
	s9 =	ssub.s32 $0x2, s5;
	s7 =	smul.u32 $0x1F4, s6  }
0xc: {  	s8 =	smul.u32 $0x3E80, s6;
	s6 =	sshll.u32 s6, $0x5;
	s30 =	sshrl.u32 s9, $0x1  }
0xd: {  	s12 =	simm.s32 $0x0;
	s6 =	sadd.s32 s6, s4;
	s31 =	ssub.s32 s9, s30  }
0xe: {  	s9 =	simm.s32 $0x2710;
	s7 =	sadd.s32 s7, s4;
	s8 =	sshrl.u32 s8, $0x3  }
0xf: {  	v0 =	vlaneseq.u32;
	s6 =	sadd.s32 $0x286C00, s6;
	s8 =	sadd.s32 s4, s8;
	s5 =	sadd.s32 $0x287000, s7  }
0x10: {  	v1 =	vimm.s32 $0x0;
	v3 =	vimm.s32 $0x1;
	v2 =	vmul.u32 $0x4, v0;
	s7 =	smax.u32 s31, $0x1;
	s4 =	sadd.s32 $0x27CE40, s8;
	s8 =	simm.s32 $0x1  }
.LBB2_2:
0x11: {  	s13 =	simm.s32 $0x0  }
0x12: {  	[tilespmem:s13], [sflag:$0x1] =	stream.linear.gather [hbm4b:s2+s13], $0x2710, $0x38;
	[tilespmem:$0x7630] =	vst v63  }
0x13: {  	_ =	swait.ge [sflag:s8], $0x2710  }
0x14: {  	[sflag:s8] =	ssyncset.done $0x0  }
0x15: {  	[sflag:s8] =	ssyncadd.s32 $0xFFFFD8F0  }
0x16: {  	[tilespmem:s9], [sflag:$0x1] =	stream.linear.gather [hbm4b:s4+s13], $0x3E80, $0x38;
	[tilespmem:$0x7630] =	vst v63  }
0x17: {  	_ =	swait.ge [sflag:s8], $0x3E80  }
0x18: {  	[sflag:s8] =	ssyncset.done $0x0  }
0x19: {  	[sflag:s8] =	ssyncadd.s32 $0xFFFFC180  }
0x1a: {  	[tilespmem:$0x7530] =	vst v1  }
0x1b: {  	[tilespmem:$0x7540] =	vst v1  }
0x1c: {  	[tilespmem:$0x7550] =	vst v1  }
0x1d: {  	[tilespmem:$0x7560] =	vst v1  }
0x1e: {  	[tilespmem:$0x7570] =	vst v1  }
0x1f: {  	[tilespmem:$0x7580] =	vst v1  }
0x20: {  	[tilespmem:$0x7590] =	vst v1  }
0x21: {  	[tilespmem:$0x75A0] =	vst v1  }
0x22: {  	[tilespmem:$0x75B0] =	vst v1  }
0x23: {  	[tilespmem:$0x75C0] =	vst v1  }
0x24: {  	[tilespmem:$0x75D0] =	vst v1  }
0x25: {  	[tilespmem:$0x75E0] =	vst v1  }
0x26: {  	[tilespmem:$0x75F0] =	vst v1  }
0x27: {  	[tilespmem:$0x7600] =	vst v1  }
0x28: {  	[tilespmem:$0x7610] =	vst v1  }
0x29: {  	s14 =	simm.s32 $0x6590;
	[tilespmem:$0x7620] =	vst v1  }
.LBB2_3:
0x2a: {  	v4 =	vmov s13  }
0x2b: {  	v4 =	vshll.u32 v4, $0x2  }
0x2c: {  	v4 =	vor.u32 v2, v4;
	_ =	sdelay $0x4  }
0x2d: {  	v5 =	vld.idx.msk [tilespmem:v4+s9+$0x0], $0xffff;
	_ =	sdelay $0x7  }
0x2e: {  	v5 =	vld.idx.msk [tilespmem:v5+s3+$0x0], $0xffff;
	_ =	sdelay $0x4  }
0x2f: {  	v6 =	vshll.u32 v5, $0x4  }
0x30: {  	v6 =	vor.u32 v0, v6  }
0x31: {  	v7 =	vor.u32 $0x1, v4;
	_ =	sdelay $0x3  }
0x32: {  	[tilespmem:v6+s10+$0x0] =	vst.idx.add.s32.msk $0xffff, v3  }
0x33: {  	v6 =	vld.idx.msk [tilespmem:v7+s9+$0x0], $0xffff;
	_ =	sdelay $0x7  }
0x34: {  	v6 =	vld.idx.msk [tilespmem:v6+s3+$0x0], $0xffff;
	_ =	sdelay $0x4  }
0x35: {  	v61 =	vshll.u32 v6, $0x4  }
0x36: {  	v7 =	vor.u32 v0, v61  }
0x37: {  	v8 =	vor.u32 $0x2, v4;
	_ =	sdelay $0x3  }
0x38: {  	[tilespmem:v7+s10+$0x0] =	vst.idx.add.s32.msk $0xffff, v3  }
0x39: {  	v7 =	vld.idx.msk [tilespmem:v8+s9+$0x0], $0xffff;
	_ =	sdelay $0x7  }
0x3a: {  	v7 =	vld.idx.msk [tilespmem:v7+s3+$0x0], $0xffff;
	_ =	sdelay $0x4  }
0x3b: {  	v62 =	vshll.u32 v7, $0x4  }
0x3c: {  	v8 =	vor.u32 v0, v62  }
0x3d: {  	v4 =	vor.u32 $0x3, v4;
	_ =	sdelay $0x3  }
0x3e: {  	[tilespmem:v8+s10+$0x0] =	vst.idx.add.s32.msk $0xffff, v3  }
0x3f: {  	v4 =	vld.idx.msk [tilespmem:v4+s9+$0x0], $0xffff;
	_ =	sdelay $0x7  }
0x40: {  	v4 =	vld.idx.msk [tilespmem:v4+s3+$0x0], $0xffff;
	_ =	sdelay $0x4  }
0x41: {  	v63 =	vshll.u32 v4, $0x4  }
0x42: {  	v8 =	vor.u32 v0, v63  }
0x43: {  	p0 =	sne.s32 s13, $0xF90  }
.Ltmp1:
0x44: {  	v6 =	vshll.u32 v6, $0x8;
	v7 =	vshll.u32 v7, $0x10;
	(pc) =	sbr.rel @p0 .LBB2_3-.Ltmp1, $4  }
0x45: {  	v6 =	vor.u32 v7, v6;
	v4 =	vshll.u32 v4, $0x18  }
0x46: {  	v4 =	vor.u32 v4, v6  }
0x47: {  	v4 =	vor.u32 v5, v4;
	[tilespmem:v8+s10+$0x0] =	vst.idx.add.s32.msk $0xffff, v3  }
0x48: {  	s13 =	sadd.s32 $0x10, s13;
	[tilespmem:s14+$0x0] =	vst v4;
	s14 =	sadd.s32 $0x10, s14  }
0x49: {  	[hbm4b:s5+s3] =	stream.linear.scatter [tilespmem:s11], [sflag:$0x1], $0xFA0, $0x38;
	[tilespmem:$0x7630] =	vst v63  }
0x4a: {  	s12 =	sadd.s32 $0x1, s12;
	_ =	swait.ge [sflag:s8], $0xFA0  }
0x4b: {  	p0 =	sne.s32 s12, s7;
	[sflag:s8] =	ssyncset.done $0x0  }
.Ltmp2:
0x4c: {  	[sflag:s8] =	ssyncadd.s32 $0xFFFFF060;
	(pc) =	sbr.rel @p0 .LBB2_2-.Ltmp2, $4  }
0x4d: {  	[hbm4b:s6+s3] =	stream.linear.scatter [tilespmem:s10], [sflag:$0x1], $0x100, $0x38;
	[tilespmem:$0x7630] =	vst v63  }
0x4e: {  	_ =	swait.ge [sflag:s8], $0x100  }
0x4f: {  	[sflag:s8] =	ssyncset.done $0x0  }
0x50: {  	[sflag:s8] =	ssyncadd.s32 $0xFFFFFF00  }
.LBB2_5:
0x51: {  	_ =	sfence.sel $0x180000  }
0x52: {  	[bflag:$0x0] =	sbarrier.arrive $0xFFFF  }
0x53: {  	p0 =	sne.s32 s1, $0x0;
	_ =	strace $0x9000004A  }
0x54: {  	s0 =	sadd.s32 @!p0 $0x100000, s0;
	[bflag:$0x2] =	sbarrier.arrive $0xFFFF  }
0x55: {  	[sflag:s0] =	ssyncadd.tile.s32 @!p0 $0x1;
	_ =	shalt  }
.Lfunc_end2:
_tile_overlayer_lowered:
.L_overlay_start_2:
0x56: {  	(tag) =	ssettag $0x2  }
0x57: {  	s0 =	rddreg [dreg:$0x0];
	s2 =	stileid.u32  }
0x58: {  	s1 =	rddreg [dreg:$0x1];
	p0 =	sne.s32 s2, $0x0  }
0x59: {  	s3 =	rddreg [dreg:$0x2];
	[bflag:$0x3] =	sbarrier.arrive $0xFFFF;
	s2 =	simm.s32 @!p0 $0x1C01  }
0x5a: {  	[timem:s3], [sflag:s2] =	dma.local @!p0 [hbm:s0], s1  }
0x5b: {  	s0 =	simm.s32 @!p0 $0x1  }
0x5c: {  	_ =	swait.ge @!p0 [sflag:s0], s1  }
0x5d: {  	s1 =	ssub.s32 @!p0 $0x0, s1;
	[sflag:s0] =	ssyncset.done @!p0 $0x0  }
0x5e: {  	[sflag:s0] =	ssyncadd.s32 @!p0 s1  }
0x5f: {  	[bflag:$0x3] =	sbarrier.arrive $0xFFFF  }
0x60: {  	_ =	shalt  }

// kernel: kernel.8.cloned.1.call-start
scs
__scs_entry_jumppad:
0x0: {  	(pc) =	sbr.rel $0x88, $3  }
0x1: {  	(tag) =	ssettag $0x0;
	lr =	simm.s32 $0x1  }
0x2: {  	[smem:$0x3F99] =	sst lr;
	_ =	strace $0xD0000000  }
0x3: {  	_ = 	snop  }
0x4: {  	_ = 	snop  }
0x5: {  	_ = 	snop  }
0x6: {  	_ = 	snop  }
0x7: {  	_ = 	snop  }
__scs_overlays_trampoline_lowered:
0x8: {  	[smem:$0x3FA8] =	sst s0  }
0x9: {  	[smem:$0x3FA9] =	sst s1  }
0xa: {  	[smem:$0x3FAA] =	sst s2  }
0xb: {  	[smem:$0x3FAB] =	sst s3  }
0xc: {  	[smem:$0x3FAC] =	sst s4  }
0xd: {  	[smem:$0x3FAD] =	sst s5  }
0xe: {  	[smem:$0x3FAE] =	sst s6  }
0xf: {  	[smem:$0x3FAF] =	sst s7  }
0x10: {  	[smem:$0x3FB0] =	sst s8  }
0x11: {  	[smem:$0x3FB1] =	sst s9;
	s0 =	simm.s32 @!p0 $0x0  }
0x12: {  	s1 =	sld [smem:$0x3F97];
	s0 =	simm.s32 @p0 $0x1  }
0x13: {  	[smem:$0x3FB2] =	sst s0;
	s0 =	simm.s32 @!p1 $0x0  }
0x14: {  	s2 =	sld [smem:$0x3F96];
	s0 =	simm.s32 @p1 $0x1  }
0x15: {  	[smem:$0x3FB3] =	sst s0;
	s0 =	simm.s32 @!p2 $0x0  }
0x16: {  	s3 =	sld [smem:$0x3FDB];
	s0 =	simm.s32 @p2 $0x1  }
0x17: {  	s4 =	simm.s32 $0x1BF5;
	[smem:$0x3FB5] =	sst s0  }
0x18: {  	s0 =	sld [smem:$0x3F98];
	_ =	swait.ge [sflag:s4], $0x0  }
0x19: {  	s7 =	sld [smem:$0x3F99]  }
0x1a: {  	s8 =	sadd.s32 $0xFFFFE003, lr  }
0x1b: {  	s9 =	sadd.s32 $0xFFFFFEF7, lr;
	s5 =	simm.s32 $0xFFFFFFFF;
	p2 =	slt.u32 s8, $0xFFFFF086  }
0x1c: {  	p1 =	slt.u32 s9, $0xF7A;
	s5 =	simm.s32 @!p2 $0x0  }
0x1d: {  	s5 =	simm.s32 @p1 $0x1;
	p0 =	seq.s32 s7, s2  }
0x1e: {  	s7 =	smul.u32 @!p0 $0xF7A, s2;
	p2 =	seq.s32 @!p0 s5, $0x0  }
0x1f: {  	s9 =	smul.u32 $0xF7A, s1;
	s8 =	simm.s32 @!p0 $0x1BF5;
	p2 =	por !p2, p0  }
0x20: {  	[sflag:s8] =	ssyncset.s32 @!p0 $0xFFFFF086;
	s6 =	sadd.s32 @!p0 s3, s7;
	s7 =	simm.s32 @!p0 $0x108  }
0x21: {  	s3 =	sadd.s32 s3, s9;
	s6 =	sadd.s32 @!p0 $0x88, s6;
	s7 =	simm.s32 @p2 $0x1082  }
0x22: {  	[simem:s7], [sflag:s8] =	dma.local @!p0 [hbm:s6], $0xF7A  }
0x23: {  	s9 =	sor.u32 $0xD0000000, s2;
	s6 =	simm.s32 $0x108;
	_ =	swait.ge @!p0 [sflag:s8], $0x0  }
0x24: {  	s3 =	sadd.s32 $0x88, s3;
	s6 =	simm.s32 @!p1 $0x1082;
	[sflag:s4] =	ssyncset.s32 $0xFFFFF086  }
0x25: {  	[simem:s6], [sflag:s4] =	dma.local [hbm:s3], $0xF7A  }
0x26: {  	[smem:$0x3F99] =	sst s1;
	(tag) =	ssettag s2;
	_ =	strace s9  }
0x27: {  	s1 =	sld [smem:$0x3FA9]  }
0x28: {  	s2 =	sld [smem:$0x3FAA]  }
0x29: {  	s4 =	sld [smem:$0x3FAC]  }
0x2a: {  	p0 =	seq.s32 s5, $0x0;
	s5 =	sld [smem:$0x3FAD]  }
0x2b: {  	s6 =	sld [smem:$0x3FAE]  }
0x2c: {  	s7 =	sld [smem:$0x3FAF]  }
0x2d: {  	s3 =	simm.s32 $0x108;
	s8 =	sld [smem:$0x3FB0]  }
0x2e: {  	s3 =	simm.s32 @!p0 $0x1082;
	s9 =	sld [smem:$0x3FB1]  }
0x2f: {  	lr =	sadd.s32 s0, s3;
	s0 =	sld [smem:$0x3FA8]  }
0x30: {  	s3 =	sld [smem:$0x3FAB]  }
0x31: {  	[smem:$0x3FB4] =	sst s10  }
0x32: {  	s10 =	sld [smem:$0x3FB2];
	_ =	sdelay $0x3  }
0x33: {  	p0 =	seq.s32 s10, $0x1;
	s10 =	sld [smem:$0x3FB4];
	_ =	sdelay $0x3  }
0x34: {  	[smem:$0x3FB4] =	sst s10  }
0x35: {  	s10 =	sld [smem:$0x3FB3];
	_ =	sdelay $0x3  }
0x36: {  	p1 =	seq.s32 s10, $0x1;
	s10 =	sld [smem:$0x3FB4];
	_ =	sdelay $0x3  }
0x37: {  	[smem:$0x3FB4] =	sst s10  }
0x38: {  	s10 =	sld [smem:$0x3FB5]  }
0x39: {  	_ = 	snop;
	(pc) =	sbr.ind lr, $3  }
0x3a: {  	_ = 	snop  }
0x3b: {  	_ = 	snop  }
0x3c: {  	p2 =	seq.s32 s10, $0x1;
	s10 =	sld [smem:$0x3FB4]  }
0x3d: {  	_ =	shalt  }
0x3e: {  	_ =	shalt  }
0x3f: {  	_ =	shalt  }
0x40: {  	_ =	shalt  }
0x41: {  	_ =	shalt  }
0x42: {  	_ =	shalt  }
0x43: {  	_ =	shalt  }
0x44: {  	_ =	shalt  }
0x45: {  	_ =	shalt  }
0x46: {  	_ =	shalt  }
0x47: {  	_ =	shalt  }
0x48: {  	_ =	shalt  }
0x49: {  	_ =	shalt  }
0x4a: {  	_ =	shalt  }
0x4b: {  	_ =	shalt  }
0x4c: {  	_ =	shalt  }
0x4d: {  	_ =	shalt  }
0x4e: {  	_ =	shalt  }
0x4f: {  	_ =	shalt  }
0x50: {  	_ =	shalt  }
0x51: {  	_ =	shalt  }
0x52: {  	_ =	shalt  }
0x53: {  	_ =	shalt  }
0x54: {  	_ =	shalt  }
0x55: {  	_ =	shalt  }
0x56: {  	_ =	shalt  }
0x57: {  	_ =	shalt  }
0x58: {  	_ =	shalt  }
0x59: {  	_ =	shalt  }
0x5a: {  	_ =	shalt  }
0x5b: {  	_ =	shalt  }
0x5c: {  	_ =	shalt  }
0x5d: {  	_ =	shalt  }
0x5e: {  	_ =	shalt  }
0x5f: {  	_ =	shalt  }
0x60: {  	_ =	shalt  }
0x61: {  	_ =	shalt  }
0x62: {  	_ =	shalt  }
0x63: {  	_ =	shalt  }
0x64: {  	_ =	shalt  }
0x65: {  	_ =	shalt  }
0x66: {  	_ =	shalt  }
0x67: {  	_ =	shalt  }
0x68: {  	_ =	shalt  }
0x69: {  	_ =	shalt  }
0x6a: {  	_ =	shalt  }
0x6b: {  	_ =	shalt  }
0x6c: {  	_ =	shalt  }
0x6d: {  	_ =	shalt  }
0x6e: {  	_ =	shalt  }
0x6f: {  	_ =	shalt  }
0x70: {  	_ =	shalt  }
0x71: {  	_ =	shalt  }
0x72: {  	_ =	shalt  }
0x73: {  	_ =	shalt  }
0x74: {  	_ =	shalt  }
0x75: {  	_ =	shalt  }
0x76: {  	_ =	shalt  }
0x77: {  	_ =	shalt  }
0x78: {  	_ =	shalt  }
0x79: {  	_ =	shalt  }
0x7a: {  	_ =	shalt  }
0x7b: {  	_ =	shalt  }
0x7c: {  	_ =	shalt  }
0x7d: {  	_ =	shalt  }
0x7e: {  	_ =	shalt  }
0x7f: {  	_ =	shalt  }
0x80: {  	_ =	shalt  }
0x81: {  	_ =	shalt  }
0x82: {  	_ =	shalt  }
0x83: {  	_ =	shalt  }
0x84: {  	_ =	shalt  }
0x85: {  	_ =	shalt  }
0x86: {  	_ =	shalt  }
0x87: {  	_ =	shalt  }
.Lfunc_end0:
.L_simem_size_0:
called_computation.2_lowered:
.L_overlay_start_0:
0x88: {  	s2 =	sld [smem:$0x3FD9]  }
0x89: {  	s3 =	sld [smem:$0x3FFE];
	_ =	sdelay $0x1  }
0x8a: {  	s1 =	srdreg.scid  }
0x8b: {  	s0 =	sand.u32 $0x1, s1  }
0x8c: {  	s16 =	sshll.u32 s0, $0xA;
	s2 =	sadd.s32 s3, s2  }
0x8d: {  	s2 =	sadd.s32 s2, s16  }
0x8e: {  	[smem:$0x3FC0] =	sst s2  }
0x8f: {  	_ = 	snop  }
0x90: {  	(tm) =	ssettm $0x1  }
0x91: {  	s17 =	sld [smem:$0x3FFB];
	_ =	sdelay $0x3  }
0x92: {  	_ =	strace s17  }
0x93: {  	s2 =	sld [smem:$0x3FFC];
	_ =	sdelay $0x3  }
0x94: {  	_ =	strace s2  }
0x95: {  	s2 =	sld [smem:$0x3FFD];
	_ =	sdelay $0x3  }
0x96: {  	_ =	strace s2  }
0x97: {  	_ =	strace $0x8FFFFFFF  }
0x98: {  	s18 =	sld [smem:$0x3FDB];
	_ =	sdelay $0x1  }
0x99: {  	s19 =	simm.s32 $_scs_section_size  }
0x9a: {  	s4 =	simm.s32 $_size__tile_overlayer_lowered;
	s5 =	simm.s32 $_tile_overlayer_lowered  }
0x9b: {  	s22 =	simm.s32 $0x1BFF;
	s21 =	sshll.u32 s5, $0x1;
	s2 =	sadd.s32 s19, s18  }
0x9c: {  	s6 =	simm.s32 $0x0;
	s20 =	sshll.u32 s4, $0x1;
	s4 =	sadd.s32 s21, s2  }
0x9d: {  	[timem:s6], [sflag:s22] =	dma.local [hbm:s4], s20  }
0x9e: {  	_ =	swait.ge [sflag:s22], s20  }
0x9f: {  	s3 =	ssub.s32 $0x0, s20;
	[sflag:s22] =	ssyncset.done $0x0  }
0xa0: {  	[sflag:s22] =	ssyncadd.s32 s3;
	_ =	sdelay $0x1  }
0xa1: {  	s23 =	simm.s32 $0x1B8B  }
0xa2: {  	_ =	swait.ge [sflag:s23], $0x1  }
0xa3: {  	[sflag:s23] =	ssyncset.done $0x0  }
0xa4: {  	s25 =	simm.s32 $0x1B8E;
	s24 =	sld [smem:$0x3FFE];
	[sflag:s23] =	ssyncadd.s32 $0xFFFFFFFF  }
0xa5: {  	s26 =	simm.s32 $execute0_lowered;
	[smem:$0x3FD2] =	sst s25  }
0xa6: {  	s4 =	sshll.u32 s26, $0x1;
	_ =	strace $0x8000004C;
	[dreg:$0x1] =	wrdreg $0xFFFFFFFF  }
0xa7: {  	s28 =	simm.s32 $_size_execute0_lowered;
	s2 =	sadd.s32 s2, s4;
	[dreg:$0x0] =	wrdreg $0x0  }
0xa8: {  	s4 =	sshll.u32 s28, $0x1;
	[dreg:$0x2] =	wrdreg s2  }
0xa9: {  	[dreg:$0x3] =	wrdreg s4  }
0xaa: {  	[dreg:$0x4] =	wrdreg $0xC0  }
0xab: {  	_ =	task [dreg:s6], $0x5FFFF  }
0xac: {  	[dreg:$0x1] =	wrdreg $0xFFFFFFFF  }
0xad: {  	[dreg:$0x0] =	wrdreg $0x60  }
0xae: {  	[dreg:$0x2] =	wrdreg s24  }
0xaf: {  	[dreg:$0x3] =	wrdreg $0x9  }
0xb0: {  	_ =	task.clear_ibuf [dreg:s6], $0x4FFFF;
	_ =	strace $0x9000004C  }
0xb1: {  	s29 =	simm.s32 $0x9;
	_ =	strace $0x8000004E  }
0xb2: {  	_ =	swait.ge [sflag:s29], $0x1  }
0xb3: {  	[sflag:s29] =	ssyncadd.s32 $0xFFFFFFFF  }
0xb4: {  	_ =	strace $0x9000004E  }
0xb5: {  	_ =	sfence  }
0xb6: {  	s30 =	sld [smem:$0x0];
	_ =	sdelay $0x2  }
0xb7: {  	s31 =	sshll.u32 s1, $0xD;
	s1 =	sshrl.u32 s1, $0x2  }
0xb8: {  	s3 =	sand.u32 $0x4000, s31;
	s1 =	sadd.s32 s1, s30  }
0xb9: {  	s0 =	sor.u32 s3, s0;
	s1 =	sshll.u32 s1, $0x11  }
0xba: {  	s0 =	sor.u32 s1, s0  }
0xbb: {  	s0 =	sadd.s32 $0x8F2B, s0  }
0xbc: {  	[sflag:s0] =	ssyncadd.remote.s32 $0x1  }
0xbd: {  	_ =	sfence.sel $0xFFFF  }
0xbe: {  	[dreg:$0x0] =	wrdreg $0xFFFFFFFF;
	(pc) =	sbr.abs _section_cstart, $3  }
0xbf: {  	[dreg:$0x1] =	wrdreg $0xFFFFFFFF  }
0xc0: {  	_ =	task.clear_ibuf [dreg:s6], $0x2FFFF;
	_ =	strace $0x9FFFFFFF  }
0xc1: {  	(tm) =	ssettm $0x7FFFFFFF  }
tec
execute0_lowered:
.L_overlay_start_1:
0x0: {  	(tag) =	ssettag $0x1  }
0x1: {  	s6 =	rddreg [dreg:$0x0]  }
0x2: {  	s0 =	rddreg [dreg:$0x1]  }
0x3: {  	s3 =	srdreg.scid;
	s1 =	stileid.u32  }
0x4: {  	s2 =	simm.s32 $0x0;
	s15 =	simm.s32 $0x320;
	s16 =	simm.s32 $0x138800  }
0x5: {  	s17 =	simm.s32 $0x13EC0;
	s18 =	simm.s32 $0x1;
	s19 =	simm.s32 $0x13BA0  }
0x6: {  	s20 =	simm.s32 $0x170C0;
	s21 =	simm.s32 $0x1A3C0;
	s22 =	simm.s32 $0x1A2C0  }
0x7: {  	s23 =	simm.s32 $0x2;
	s24 =	simm.s32 $0x0;
	s7 =	sand.u32 $0x1, s3  }
0x8: {  	s31 =	sshll.u32 s1, $0x1;
	[smem:$0x7FF] =	sst s2;
	s3 =	sadd.s32 $0x289800, s6  }
0x9: {  	s4 =	sadd.s32 $0x287000, s6;
	s5 =	sadd.s32 $0x2200, s6;
	s8 =	sor.u32 s7, s31  }
0xa: {  	s7 =	ssub.s32 $0x2, s7;
	s9 =	smul.u32 $0x9C40, s8;
	s8 =	sshll.u32 s8, $0x5  }
0xb: {  	_ =	strace $0x8000004D;
	s11 =	sshrl.u32 s7, $0x1;
	s13 =	sadd.s32 s8, s6  }
0xc: {  	s14 =	ssub.s32 s7, s11;
	s10 =	sshrl.u32 s9, $0x3;
	s8 =	sadd.s32 $0x320, s9  }
0xd: {  	s9 =	sadd.s32 $0x640, s9;
	s11 =	sadd.s32 $0x273200, s13;
	s12 =	sadd.s32 s3, s10  }
0xe: {  	v0 =	vimm.f32 $0.0e+00;
	s7 =	sadd.s32 s5, s10;
	s10 =	sadd.s32 $0x273600, s13;
	s13 =	simm.s32 $0x3  }
0xf: {  	v1 =	vimm.s32 $0x0;
	v2 =	vlaneseq.u32;
	v3 =	vimm.s32 $0x1;
	s6 =	sadd.s32 $0x27100, s12;
	s12 =	smax.u32 s14, $0x1;
	s14 =	simm.s32 $0x13880  }
.LBB2_1:
0x10: {  	[tilespmem:s2], [sflag:$0x3] =	stream.linear.gather [hbm4b:s4+s2], $0x13880, $0x38;
	[tilespmem:$0x1A4C0] =	vst v63  }
0x11: {  	_ =	swait.ge [sflag:s13], $0x13880  }
0x12: {  	[sflag:s13] =	ssyncset.done $0x0  }
0x13: {  	[sflag:s13] =	ssyncadd.s32 $0xFFFEC780  }
0x14: {  	[tilespmem:$0x1A2C0] =	vst v0  }
0x15: {  	[tilespmem:$0x1A2D0] =	vst v0  }
0x16: {  	[tilespmem:$0x1A2E0] =	vst v0  }
0x17: {  	[tilespmem:$0x1A2F0] =	vst v0  }
0x18: {  	[tilespmem:$0x1A300] =	vst v0  }
0x19: {  	[tilespmem:$0x1A310] =	vst v0  }
0x1a: {  	[tilespmem:$0x1A320] =	vst v0  }
0x1b: {  	[tilespmem:$0x1A330] =	vst v0  }
0x1c: {  	[tilespmem:$0x1A340] =	vst v0  }
0x1d: {  	[tilespmem:$0x1A350] =	vst v0  }
0x1e: {  	[tilespmem:$0x1A360] =	vst v0  }
0x1f: {  	[tilespmem:$0x1A370] =	vst v0  }
0x20: {  	[tilespmem:$0x1A380] =	vst v0  }
0x21: {  	[tilespmem:$0x1A390] =	vst v0  }
0x22: {  	[tilespmem:$0x1A3A0] =	vst v0  }
0x23: {  	[tilespmem:$0x1A3B0] =	vst v0  }
0x24: {  	[tilespmem:$0x1A3C0] =	vst v1  }
0x25: {  	[tilespmem:$0x1A3D0] =	vst v1  }
0x26: {  	[tilespmem:$0x1A3E0] =	vst v1  }
0x27: {  	[tilespmem:$0x1A3F0] =	vst v1  }
0x28: {  	[tilespmem:$0x1A400] =	vst v1  }
0x29: {  	[tilespmem:$0x1A410] =	vst v1  }
0x2a: {  	[tilespmem:$0x1A420] =	vst v1  }
0x2b: {  	[tilespmem:$0x1A430] =	vst v1  }
0x2c: {  	[tilespmem:$0x1A440] =	vst v1  }
0x2d: {  	[tilespmem:$0x1A450] =	vst v1  }
0x2e: {  	[tilespmem:$0x1A460] =	vst v1  }
0x2f: {  	[tilespmem:$0x1A470] =	vst v1  }
0x30: {  	[tilespmem:$0x1A480] =	vst v1  }
0x31: {  	[tilespmem:$0x1A490] =	vst v1  }
0x32: {  	[tilespmem:$0x1A4A0] =	vst v1  }
0x33: {  	[tilespmem:$0x1A4B0] =	vst v1  }
0x34: {  	[tilespmem:s14], [sflag:$0x1] =	stream.linear.gather [hbm4b:s6+s2], $0x320, $0x38;
	[tilespmem:$0x1A4C0] =	vst v63  }
0x35: {  	s25 =	simm.s32 $0x0  }
0x36: {  	[tilespmem:s17], [sflag:$0x1] =	stream.strided.gather [hbm4b:s7+s15], $0x3200, s16, s15, $0x38;
	[tilespmem:$0x1A4C0] =	vst v63  }
.LBB2_2:
0x37: {  	_ =	swait.ge [sflag:s18], $0x320;
	s26 =	smul.u32 $0x640, s25  }
0x38: {  	[sflag:s18] =	ssyncset.done $0x0  }
0x39: {  	[sflag:s18] =	ssyncadd.s32 $0xFFFFFCE0;
	s28 =	sadd.s32 s26, s8  }
0x3a: {  	_ =	swait.ge [sflag:s18], $0x3200;
	s29 =	sshrl.u32 s28, $0x3  }
0x3b: {  	[sflag:s18] =	ssyncset.done $0x0;
	s28 =	sadd.s32 s3, s29  }
0x3c: {  	[sflag:s18] =	ssyncadd.s32 $0xFFFFCE00;
	s30 =	sadd.s32 $0x27100, s28;
	s28 =	simm.s32 $0x0  }
0x3d: {  	[tilespmem:s19], [sflag:$0x2] =	stream.linear.gather [hbm4b:s30+s28], $0x320, $0x38;
	[tilespmem:$0x1A4C0] =	vst v63  }
0x3e: {  	s29 =	sadd.s32 s5, s29  }
0x3f: {  	[tilespmem:s20], [sflag:$0x2] =	stream.strided.gather [hbm4b:s29+s15], $0x3200, s16, s15, $0x38;
	[tilespmem:$0x1A4C0] =	vst v63  }
.LBB2_3:
0x40: {  	s29 =	sshra.s32 s28, $0x2  }
0x41: {  	v4 =	vld [tilespmem:s29+$0x13880];
	_ =	sdelay $0x4  }
0x42: {  	v5 =	vshra.s32 v4, $0x2;
	_ =	sdelay $0x4  }
0x43: {  	v5 =	vld.idx.msk [tilespmem:v5+s2+$0x0], $0xffff;
	_ =	sdelay $0x2  }
0x44: {  	v4 =	vshll.u32 v4, $0x3  }
0x45: {  	v4 =	vand.u32 $0x18, v4  }
0x46: {  	v4 =	vshra.s32 v5, v4  }
0x47: {  	v5 =	vshll.u32 v4, $0x4  }
0x48: {  	v5 =	vand.u32 $0xFF0, v5  }
0x49: {  	v5 =	vor.u32 v2, v5;
	_ =	sdelay $0x4  }
0x4a: {  	[tilespmem:v5+s21+$0x0] =	vst.idx.add.s32.msk $0xffff, v3  }
0x4b: {  	v4 =	vand.u32 $0xFF, v4;
	v5 =	vld [tilespmem:s29+$0x13EC0];
	_ =	sdelay $0x4  }
0x4c: {  	[tilespmem:v4+s22+$0x0] =	vst.idx.add.f32.msk $0xffff, v5  }
0x4d: {  	v6 =	vadd.s32 $0x10, v4;
	v5 =	vld [tilespmem:s29+$0x141E0];
	_ =	sdelay $0x4  }
0x4e: {  	[tilespmem:v6+s22+$0x0] =	vst.idx.add.f32.msk $0xffff, v5  }
0x4f: {  	v51 =	vadd.s32 $0x20, v4;
	v5 =	vld [tilespmem:s29+$0x14500];
	_ =	sdelay $0x4  }
0x50: {  	[tilespmem:v51+s22+$0x0] =	vst.idx.add.f32.msk $0xffff, v5  }
0x51: {  	v52 =	vadd.s32 $0x30, v4;
	v5 =	vld [tilespmem:s29+$0x14820];
	_ =	sdelay $0x4  }
0x52: {  	[tilespmem:v52+s22+$0x0] =	vst.idx.add.f32.msk $0xffff, v5  }
0x53: {  	v53 =	vadd.s32 $0x40, v4;
	v5 =	vld [tilespmem:s29+$0x14B40];
	_ =	sdelay $0x4  }
0x54: {  	[tilespmem:v53+s22+$0x0] =	vst.idx.add.f32.msk $0xffff, v5  }
0x55: {  	v54 =	vadd.s32 $0x50, v4;
	v5 =	vld [tilespmem:s29+$0x14E60];
	_ =	sdelay $0x4  }
0x56: {  	[tilespmem:v54+s22+$0x0] =	vst.idx.add.f32.msk $0xffff, v5  }
0x57: {  	v55 =	vadd.s32 $0x60, v4;
	v5 =	vld [tilespmem:s29+$0x15180];
	_ =	sdelay $0x4  }
0x58: {  	[tilespmem:v55+s22+$0x0] =	vst.idx.add.f32.msk $0xffff, v5  }
0x59: {  	v56 =	vadd.s32 $0x70, v4;
	v5 =	vld [tilespmem:s29+$0x154A0];
	_ =	sdelay $0x4  }
0x5a: {  	[tilespmem:v56+s22+$0x0] =	vst.idx.add.f32.msk $0xffff, v5  }
0x5b: {  	v57 =	vadd.s32 $0x80, v4;
	v5 =	vld [tilespmem:s29+$0x157C0];
	_ =	sdelay $0x4  }
0x5c: {  	[tilespmem:v57+s22+$0x0] =	vst.idx.add.f32.msk $0xffff, v5  }
0x5d: {  	v58 =	vadd.s32 $0x90, v4;
	v5 =	vld [tilespmem:s29+$0x15AE0];
	_ =	sdelay $0x4  }
0x5e: {  	[tilespmem:v58+s22+$0x0] =	vst.idx.add.f32.msk $0xffff, v5  }
0x5f: {  	v59 =	vadd.s32 $0xA0, v4;
	v5 =	vld [tilespmem:s29+$0x15E00];
	_ =	sdelay $0x4  }
0x60: {  	[tilespmem:v59+s22+$0x0] =	vst.idx.add.f32.msk $0xffff, v5  }
0x61: {  	v60 =	vadd.s32 $0xB0, v4;
	v5 =	vld [tilespmem:s29+$0x16120];
	_ =	sdelay $0x4  }
0x62: {  	[tilespmem:v60+s22+$0x0] =	vst.idx.add.f32.msk $0xffff, v5  }
0x63: {  	v61 =	vadd.s32 $0xC0, v4;
	v5 =	vld [tilespmem:s29+$0x16440];
	_ =	sdelay $0x4  }
0x64: {  	[tilespmem:v61+s22+$0x0] =	vst.idx.add.f32.msk $0xffff, v5  }
0x65: {  	v62 =	vadd.s32 $0xD0, v4;
	v5 =	vld [tilespmem:s29+$0x16760];
	_ =	sdelay $0x4  }
0x66: {  	[tilespmem:v62+s22+$0x0] =	vst.idx.add.f32.msk $0xffff, v5  }
0x67: {  	v63 =	vadd.s32 $0xE0, v4;
	v5 =	vld [tilespmem:s29+$0x16A80];
	_ =	sdelay $0x4  }
0x68: {  	[tilespmem:v63+s22+$0x0] =	vst.idx.add.f32.msk $0xffff, v5  }
0x69: {  	p0 =	sne.s32 s28, $0xC40;
	v4 =	vadd.s32 $0xF0, v4;
	v5 =	vld [tilespmem:s29+$0x16DA0]  }
.Ltmp0:
0x6a: {  	_ = 	snop;
	(pc) =	sbr.rel @p0 .LBB2_3-.Ltmp0, $2  }
0x6b: {  	_ =	sdelay $0x2  }
0x6c: {  	s28 =	sadd.s32 $0x40, s28;
	[tilespmem:v4+s22+$0x0] =	vst.idx.add.f32.msk $0xffff, v5  }
0x6d: {  	_ =	swait.ge [sflag:s23], $0x320  }
0x6e: {  	p0 =	seq.s32 s25, $0x18;
	[sflag:s23] =	ssyncset.done $0x0  }
0x6f: {  	s26 =	sadd.s32 @!p0 s26, s9;
	[sflag:s23] =	ssyncadd.s32 $0xFFFFFCE0  }
0x70: {  	s29 =	simm.s32 @!p0 $0x0;
	s26 =	sshrl.u32 @!p0 s26, $0x3;
	_ =	swait.ge [sflag:s23], $0x3200  }
0x71: {  	s30 =	simm.s32 @!p0 $0x13880;
	s28 =	sadd.s32 @!p0 s3, s26;
	[sflag:s23] =	ssyncset.done $0x0  }
0x72: {  	s26 =	sadd.s32 @!p0 s5, s26;
	s28 =	sadd.s32 @!p0 $0x27100, s28;
	[sflag:s23] =	ssyncadd.s32 $0xFFFFCE00  }
0x73: {  	[tilespmem:s30], [sflag:$0x1] =	stream.linear.gather @!p0 [hbm4b:s28+s29], $0x320, $0x38;
	[tilespmem:$0x1A4C0] =	vst v63  }
0x74: {  	s28 =	simm.s32 @!p0 $0x320;
	s29 =	simm.s32 @!p0 $0x138800;
	s30 =	simm.s32 @!p0 $0x13EC0  }
0x75: {  	[tilespmem:s30], [sflag:$0x1] =	stream.strided.gather @!p0 [hbm4b:s26+s28], $0x3200, s29, s28, $0x38;
	[tilespmem:$0x1A4C0] =	vst v63  }
0x76: {  	s26 =	simm.s32 $0x0  }
.LBB2_5:
0x77: {  	s28 =	sshra.s32 s26, $0x2  }
0x78: {  	v4 =	vld [tilespmem:s28+$0x13BA0];
	_ =	sdelay $0x4  }
0x79: {  	v5 =	vshra.s32 v4, $0x2;
	_ =	sdelay $0x4  }
0x7a: {  	v5 =	vld.idx.msk [tilespmem:v5+s2+$0x0], $0xffff;
	_ =	sdelay $0x2  }
0x7b: {  	v4 =	vshll.u32 v4, $0x3  }
0x7c: {  	v4 =	vand.u32 $0x18, v4  }
0x7d: {  	v4 =	vshra.s32 v5, v4  }
0x7e: {  	v5 =	vshll.u32 v4, $0x4  }
0x7f: {  	v5 =	vand.u32 $0xFF0, v5  }
0x80: {  	v5 =	vor.u32 v2, v5;
	_ =	sdelay $0x4  }
0x81: {  	[tilespmem:v5+s21+$0x0] =	vst.idx.add.s32.msk $0xffff, v3  }
0x82: {  	v4 =	vand.u32 $0xFF, v4;
	v5 =	vld [tilespmem:s28+$0x170C0];
	_ =	sdelay $0x4  }
0x83: {  	[tilespmem:v4+s22+$0x0] =	vst.idx.add.f32.msk $0xffff, v5  }
0x84: {  	v6 =	vadd.s32 $0x10, v4;
	v5 =	vld [tilespmem:s28+$0x173E0];
	_ =	sdelay $0x4  }
0x85: {  	[tilespmem:v6+s22+$0x0] =	vst.idx.add.f32.msk $0xffff, v5  }
0x86: {  	v51 =	vadd.s32 $0x20, v4;
	v5 =	vld [tilespmem:s28+$0x17700];
	_ =	sdelay $0x4  }
0x87: {  	[tilespmem:v51+s22+$0x0] =	vst.idx.add.f32.msk $0xffff, v5  }
0x88: {  	v52 =	vadd.s32 $0x30, v4;
	v5 =	vld [tilespmem:s28+$0x17A20];
	_ =	sdelay $0x4  }
0x89: {  	[tilespmem:v52+s22+$0x0] =	vst.idx.add.f32.msk $0xffff, v5  }
0x8a: {  	v53 =	vadd.s32 $0x40, v4;
	v5 =	vld [tilespmem:s28+$0x17D40];
	_ =	sdelay $0x4  }
0x8b: {  	[tilespmem:v53+s22+$0x0] =	vst.idx.add.f32.msk $0xffff, v5  }
0x8c: {  	v54 =	vadd.s32 $0x50, v4;
	v5 =	vld [tilespmem:s28+$0x18060];
	_ =	sdelay $0x4  }
0x8d: {  	[tilespmem:v54+s22+$0x0] =	vst.idx.add.f32.msk $0xffff, v5  }
0x8e: {  	v55 =	vadd.s32 $0x60, v4;
	v5 =	vld [tilespmem:s28+$0x18380];
	_ =	sdelay $0x4  }
0x8f: {  	[tilespmem:v55+s22+$0x0] =	vst.idx.add.f32.msk $0xffff, v5  }
0x90: {  	v56 =	vadd.s32 $0x70, v4;
	v5 =	vld [tilespmem:s28+$0x186A0];
	_ =	sdelay $0x4  }
0x91: {  	[tilespmem:v56+s22+$0x0] =	vst.idx.add.f32.msk $0xffff, v5  }
0x92: {  	v57 =	vadd.s32 $0x80, v4;
	v5 =	vld [tilespmem:s28+$0x189C0];
	_ =	sdelay $0x4  }
0x93: {  	[tilespmem:v57+s22+$0x0] =	vst.idx.add.f32.msk $0xffff, v5  }
0x94: {  	v58 =	vadd.s32 $0x90, v4;
	v5 =	vld [tilespmem:s28+$0x18CE0];
	_ =	sdelay $0x4  }
0x95: {  	[tilespmem:v58+s22+$0x0] =	vst.idx.add.f32.msk $0xffff, v5  }
0x96: {  	v59 =	vadd.s32 $0xA0, v4;
	v5 =	vld [tilespmem:s28+$0x19000];
	_ =	sdelay $0x4  }
0x97: {  	[tilespmem:v59+s22+$0x0] =	vst.idx.add.f32.msk $0xffff, v5  }
0x98: {  	v60 =	vadd.s32 $0xB0, v4;
	v5 =	vld [tilespmem:s28+$0x19320];
	_ =	sdelay $0x4  }
0x99: {  	[tilespmem:v60+s22+$0x0] =	vst.idx.add.f32.msk $0xffff, v5  }
0x9a: {  	v61 =	vadd.s32 $0xC0, v4;
	v5 =	vld [tilespmem:s28+$0x19640];
	_ =	sdelay $0x4  }
0x9b: {  	[tilespmem:v61+s22+$0x0] =	vst.idx.add.f32.msk $0xffff, v5  }
0x9c: {  	v62 =	vadd.s32 $0xD0, v4;
	v5 =	vld [tilespmem:s28+$0x19960];
	_ =	sdelay $0x4  }
0x9d: {  	[tilespmem:v62+s22+$0x0] =	vst.idx.add.f32.msk $0xffff, v5  }
0x9e: {  	v63 =	vadd.s32 $0xE0, v4;
	v5 =	vld [tilespmem:s28+$0x19C80];
	_ =	sdelay $0x4  }
0x9f: {  	[tilespmem:v63+s22+$0x0] =	vst.idx.add.f32.msk $0xffff, v5  }
0xa0: {  	p0 =	sne.s32 s26, $0xC40;
	v4 =	vadd.s32 $0xF0, v4;
	v5 =	vld [tilespmem:s28+$0x19FA0]  }
.Ltmp1:
0xa1: {  	_ = 	snop;
	(pc) =	sbr.rel @p0 .LBB2_5-.Ltmp1, $2  }
0xa2: {  	_ =	sdelay $0x2  }
0xa3: {  	s26 =	sadd.s32 $0x40, s26;
	[tilespmem:v4+s22+$0x0] =	vst.idx.add.f32.msk $0xffff, v5  }
0xa4: {  	s25 =	sadd.s32 $0x1, s25  }
0xa5: {  	p0 =	sne.s32 s25, $0x19  }
.Ltmp2:
0xa6: {  	_ = 	snop;
	(pc) =	sbr.rel @p0 .LBB2_2-.Ltmp2, $1  }
0xa7: {  	_ =	sdelay $0x3  }
0xa8: {  	[hbm4b:s10+s2] =	stream.linear.scatter [tilespmem:s22], [sflag:$0x3], $0x100, $0x38;
	[tilespmem:$0x1A4C0] =	vst v63  }
0xa9: {  	s24 =	sadd.s32 $0x1, s24;
	_ =	swait.ge [sflag:s13], $0x100  }
0xaa: {  	p0 =	sne.s32 s24, s12;
	[sflag:s13] =	ssyncset.done $0x0  }
.Ltmp3:
0xab: {  	[sflag:s13] =	ssyncadd.s32 $0xFFFFFF00;
	(pc) =	sbr.rel @p0 .LBB2_1-.Ltmp3, $4  }
0xac: {  	[hbm4b:s11+s2] =	stream.linear.scatter [tilespmem:s21], [sflag:$0x3], $0x100, $0x38;
	[tilespmem:$0x1A4C0] =	vst v63  }
0xad: {  	_ =	swait.ge [sflag:s13], $0x100  }
0xae: {  	[sflag:s13] =	ssyncset.done $0x0  }
0xaf: {  	[sflag:s13] =	ssyncadd.s32 $0xFFFFFF00  }
0xb0: {  	_ =	sfence.sel $0x180000  }
0xb1: {  	[bflag:$0x0] =	sbarrier.arrive $0xFFFF  }
0xb2: {  	p0 =	sne.s32 s1, $0x0;
	_ =	strace $0x9000004D  }
0xb3: {  	s0 =	sadd.s32 @!p0 $0x100000, s0;
	[bflag:$0x2] =	sbarrier.arrive $0xFFFF  }
0xb4: {  	[sflag:s0] =	ssyncadd.tile.s32 @!p0 $0x1;
	_ =	shalt  }
.Lfunc_end2:
_tile_overlayer_lowered:
.L_overlay_start_2:
0xb5: {  	(tag) =	ssettag $0x2  }
0xb6: {  	s0 =	rddreg [dreg:$0x0];
	s2 =	stileid.u32  }
0xb7: {  	s1 =	rddreg [dreg:$0x1];
	p0 =	sne.s32 s2, $0x0  }
0xb8: {  	s3 =	rddreg [dreg:$0x2];
	[bflag:$0x3] =	sbarrier.arrive $0xFFFF;
	s2 =	simm.s32 @!p0 $0x1C03  }
0xb9: {  	[timem:s3], [sflag:s2] =	dma.local @!p0 [hbm:s0], s1  }
0xba: {  	s0 =	simm.s32 @!p0 $0x3  }
0xbb: {  	_ =	swait.ge @!p0 [sflag:s0], s1  }
0xbc: {  	s1 =	ssub.s32 @!p0 $0x0, s1;
	[sflag:s0] =	ssyncset.done @!p0 $0x0  }
0xbd: {  	[sflag:s0] =	ssyncadd.s32 @!p0 s1  }
0xbe: {  	[bflag:$0x3] =	sbarrier.arrive $0xFFFF  }
0xbf: {  	_ =	shalt  }

// kernel: sparse-core-data-format-call.cloned.1.call-start
scs
called_computation_lowered:
.L_overlay_start_0:
0x0: {  	s2 =	sld [smem:$0x3FD9]  }
0x1: {  	s3 =	sld [smem:$0x3FFE];
	_ =	sdelay $0x1  }
0x2: {  	s1 =	srdreg.scid  }
0x3: {  	s0 =	sand.u32 $0x1, s1  }
0x4: {  	s18 =	sshll.u32 s0, $0xA;
	s2 =	sadd.s32 s3, s2  }
0x5: {  	s2 =	sadd.s32 s2, s18  }
0x6: {  	[smem:$0x3FC0] =	sst s2  }
0x7: {  	_ = 	snop  }
0x8: {  	s2 =	sld [smem:$0x3FC6];
	(tm) =	ssettm $0x1  }
0x9: {  	s19 =	sld [smem:$0x3FFB];
	_ =	sdelay $0x3  }
0xa: {  	_ =	strace s19  }
0xb: {  	s3 =	sld [smem:$0x3FFC];
	_ =	sdelay $0x3  }
0xc: {  	_ =	strace s3  }
0xd: {  	s3 =	sld [smem:$0x3FFD];
	_ =	sdelay $0x3  }
0xe: {  	_ =	strace s3  }
0xf: {  	_ =	strace $0x8FFFFFFF  }
0x10: {  	s20 =	sld [smem:$0x3FDB];
	_ =	sdelay $0x1  }
0x11: {  	s4 =	simm.s32 $_scs_section_size  }
0x12: {  	s5 =	simm.s32 $_size__tile_overlayer_lowered;
	s6 =	simm.s32 $_tile_overlayer_lowered  }
0x13: {  	s23 =	simm.s32 $0x1BFF;
	s22 =	sshll.u32 s6, $0x1;
	s3 =	sadd.s32 s4, s20  }
0x14: {  	s7 =	simm.s32 $0x0;
	s21 =	sshll.u32 s5, $0x1;
	s5 =	sadd.s32 s22, s3  }
0x15: {  	[timem:s7], [sflag:s23] =	dma.local [hbm:s5], s21  }
0x16: {  	_ =	swait.ge [sflag:s23], s21  }
0x17: {  	s4 =	ssub.s32 $0x0, s21;
	[sflag:s23] =	ssyncset.done $0x0  }
0x18: {  	[sflag:s23] =	ssyncadd.s32 s4;
	_ =	sdelay $0x1  }
0x19: {  	s24 =	simm.s32 $0x1B8B  }
0x1a: {  	_ =	swait.ge [sflag:s24], $0x1  }
0x1b: {  	[sflag:s24] =	ssyncset.done $0x0  }
0x1c: {  	s26 =	simm.s32 $0x1B8E;
	s25 =	sld [smem:$0x3FFE];
	[sflag:s24] =	ssyncadd.s32 $0xFFFFFFFF  }
0x1d: {  	s27 =	simm.s32 $execute0_lowered;
	[smem:$0x3FD2] =	sst s26  }
0x1e: {  	s5 =	sshll.u32 s27, $0x1;
	_ =	strace $0x80000046;
	[dreg:$0x1] =	wrdreg $0xFFFFFFFF  }
0x1f: {  	s28 =	simm.s32 $_size_execute0_lowered;
	s3 =	sadd.s32 s3, s5;
	[dreg:$0x0] =	wrdreg $0x0  }
0x20: {  	s5 =	sshll.u32 s28, $0x1;
	[dreg:$0x2] =	wrdreg s3  }
0x21: {  	[dreg:$0x3] =	wrdreg s5  }
0x22: {  	[dreg:$0x4] =	wrdreg $0xC0  }
0x23: {  	_ =	task [dreg:s7], $0x5FFFF  }
0x24: {  	[dreg:$0x1] =	wrdreg $0xFFFFFFFF  }
0x25: {  	[dreg:$0x0] =	wrdreg $0x60  }
0x26: {  	[dreg:$0x2] =	wrdreg s2  }
0x27: {  	[dreg:$0x3] =	wrdreg s25  }
0x28: {  	[dreg:$0x4] =	wrdreg $0x9  }
0x29: {  	_ =	task.clear_ibuf [dreg:s7], $0x5FFFF;
	_ =	strace $0x90000046  }
0x2a: {  	s29 =	simm.s32 $0x9;
	_ =	strace $0x80000048  }
0x2b: {  	_ =	swait.ge [sflag:s29], $0x1  }
0x2c: {  	[sflag:s29] =	ssyncadd.s32 $0xFFFFFFFF  }
0x2d: {  	_ =	strace $0x90000048  }
0x2e: {  	_ =	sfence  }
0x2f: {  	s30 =	sld [smem:$0x0];
	_ =	sdelay $0x2  }
0x30: {  	s31 =	sshll.u32 s1, $0xD;
	s1 =	sshrl.u32 s1, $0x2  }
0x31: {  	s3 =	sand.u32 $0x4000, s31;
	s1 =	sadd.s32 s1, s30  }
0x32: {  	s0 =	sor.u32 s3, s0;
	s1 =	sshll.u32 s1, $0x11  }
0x33: {  	s0 =	sor.u32 s1, s0  }
0x34: {  	s0 =	sadd.s32 $0x8F2B, s0  }
0x35: {  	[sflag:s0] =	ssyncadd.remote.s32 $0x1  }
0x36: {  	_ =	sfence.sel $0xFFFF  }
0x37: {  	[dreg:$0x0] =	wrdreg $0xFFFFFFFF;
	(pc) =	sbr.abs _section_cstart, $3  }
0x38: {  	[dreg:$0x1] =	wrdreg $0xFFFFFFFF  }
0x39: {  	_ =	task.clear_ibuf [dreg:s7], $0x2FFFF;
	_ =	strace $0x9FFFFFFF  }
0x3a: {  	(tm) =	ssettm $0x7FFFFFFF  }
0x3b: {  	_ =	shalt  }
tec
execute0_lowered:
.L_overlay_start_1:
0x0: {  	(tag) =	ssettag $0x1  }
0x1: {  	s0 =	stileid.u32;
	s1 =	srdreg.scid  }
0x2: {  	s7 =	rddreg [dreg:$0x1];
	s31 =	simm.s32 $0x2;
	s15 =	simm.s32 $0x0  }
0x3: {  	s10 =	simm.s32 $0x138800;
	s2 =	sshll.u32 s0, $0x3;
	s1 =	sshll.u32 s1, $0x7  }
0x4: {  	s11 =	simm.s32 $0x0;
	s16 =	simm.s32 $0x0;
	s1 =	sor.u32 s2, s1  }
0x5: {  	s14 =	simm.s32 $0x0;
	s3 =	sand.u32 $0x1, s0;
	s1 =	sand.u32 $0xF0, s1  }
0x6: {  	s7 =	sadd.s32 $0x2200, s7;
	s5 =	ssub.s32 $0x2, s3;
	s4 =	ssub.s32 $0x2710, s1  }
0x7: {  	s2 =	rddreg [dreg:$0x0];
	s8 =	sshrl.u32 s5, $0x1;
	s6 =	sand.u32 $0xF0, s4  }
0x8: {  	s5 =	sand.u32 $0x1, s5;
	p0 =	sne.s32 s6, $0x0;
	s6 =	simm.s32 $0x1  }
.Ltmp0:
0x9: {  	s9 =	sshrl.u32 s4, $0x8;
	s6 =	simm.s32 @!p0 $0x0;
	(pc) =	sbr.rel .LBB1_1-.Ltmp0, $4  }
0xa: {  	s8 =	sadd.s32 s5, s8;
	s5 =	simm.s32 $0x1;
	s6 =	sadd.s32 s6, s9  }
0xb: {  	s4 =	rddreg [dreg:$0x2];
	_ =	strace $0x80000047;
	s6 =	smul.u32 s8, s6  }
0xc: {  	s13 =	smov.u32 s3;
	s12 =	smov.u32 s1;
	[sflag:s5] =	ssyncpa.u1 $0x0  }
0xd: {  	[sflag:s31] =	ssyncpa.u1 $0x0;
	s9 =	simm.s32 $0x800;
	s8 =	sadd.s32 $0x1, s6  }
.LBB1_7:
0xe: {  	s17 =	sadd.s32 $0x100, s12  }
0xf: {  	s15 =	sadd.s32 $0x2, s13;
	s19 =	smov.u32 s13;
	p1 =	sgt.s32 s17, $0x270F  }
0x10: {  	s19 =	smov.u32 @p1 s15  }
0x11: {  	s17 =	smov.u32 @p1 s1;
	p1 =	sgt.s32 s19, $0x1  }
0x12: {  	s19 =	smov.u32 @p1 s3;
	p1 =	sne.s32 s14, s8  }
.Ltmp1:
0x13: {  	p0 =	slt.u32 s14, $0x2;
	(pc) =	sbr.rel @!p1 .LBB1_8-.Ltmp1, $4  }
0x14: {  	s18 =	simm.s32 @!p0 $0x2  }
0x15: {  	s16 =	smov.u32 s13;
	s11 =	sadd.s32 $0x4000, s11;
	_ =	swait.ge @!p0 [sflag:s18], $0x4000  }
0x16: {  	s15 =	smov.u32 s12;
	[sflag:s18] =	ssyncset.done @!p0 $0x0;
	s12 =	smov.u32 s17  }
0x17: {  	s14 =	sadd.s32 $0x1, s14;
	[sflag:s18] =	ssyncadd.s32 @!p0 $0xFFFFC000;
	s13 =	smov.u32 s19  }
.LBB1_1:
0x18: {  	p0 =	sge.u32 s14, s6  }
0x19: {  	s17 =	smul.u32 @!p0 $0x138800, s13  }
0x1a: {  	s31 =	sadd.s32 $0xFFFFFFFF, s14;
	s18 =	sxor.u32 @!p0 $0xFFFFFFFF, s14  }
0x1b: {  	s19 =	sshll.u32 @!p0 s12, $0x7;
	s18 =	sshll.u32 @!p0 s18, $0xE;
	s17 =	sadd.s32 @!p0 s2, s17  }
0x1c: {  	s18 =	sand.u32 @!p0 $0x4000, s18;
	s17 =	sadd.s32 @!p0 s19, s17;
	s19 =	simm.s32 @!p0 $0x0  }
0x1d: {  	[tilespmem:s18], [sflag:$0x1] =	stream.linear.gather @!p0 [hbm4b:s17+s19], $0x4000, $0x38;
	[tilespmem:$0x10000] =	vst v63  }
0x1e: {  	p0 =	sge.u32 s31, s6  }
.Ltmp2:
0x1f: {  	_ = 	snop;
	(pc) =	sbr.rel @p0 .LBB1_7-.Ltmp2, $1  }
0x20: {  	_ =	sdelay $0x3  }
0x21: {  	s17 =	sand.u32 $0x4000, s11  }
0x22: {  	_ =	swait.ge [sflag:s5], $0x4000;
	s20 =	sshll.u32 s14, $0xE;
	s18 =	sor.u32 $0x8040, s17  }
0x23: {  	s19 =	sor.u32 $0x40, s17;
	[sflag:s5] =	ssyncset.done $0x0;
	s31 =	sand.u32 $0x4000, s20  }
0x24: {  	s20 =	simm.s32 $0x0;
	[sflag:s5] =	ssyncadd.s32 $0xFFFFC000;
	s17 =	sor.u32 $0x8000, s31  }
.LBB1_3:
0x25: {  	v0 =	vmov s19;
	_ =	sdelay $0x3  }
0x26: {  	s22 =	simm.s32 $0x0  }
0x27: {  	v6 =	vld.idx.msk [tilespmem:v0+s22+$0x30 ss:$0x1], $0xffff  }
0x28: {  	v7 =	vld.idx.msk [tilespmem:v0+s22+$0xFFFFFFC0 ss:$0x1], $0xffff  }
0x29: {  	v5 =	vld.idx.msk [tilespmem:v0+s22+$0xFFFFFFD0 ss:$0x1], $0xffff  }
0x2a: {  	v4 =	vld.idx.msk [tilespmem:v0+s22+$0xFFFFFFE0 ss:$0x1], $0xffff  }
0x2b: {  	v3 =	vld.idx.msk [tilespmem:v0+s22+$0xFFFFFFF0 ss:$0x1], $0xffff  }
0x2c: {  	v1 =	vld.idx.msk [tilespmem:v0+s22+$0x0 ss:$0x1], $0xffff  }
0x2d: {  	v2 =	vld.idx.msk [tilespmem:v0+s22+$0x10 ss:$0x1], $0xffff;
	[tilespmem:s18+$0x30] =	vst v6  }
0x2e: {  	s21 =	simm.s32 $0x80;
	s23 =	simm.s32 $0x400;
	[tilespmem:s18+$0xFFFFFFC0] =	vst v7;
	v6 =	vld.idx.msk [tilespmem:v0+s22+$0x20 ss:$0x1], $0xffff;
	s22 =	smov.u32 s18  }
.LBB1_4:
0x2f: {  	p0 =	sne.s32 s23, $0xE00;
	v7 =	vld.idx.msk [tilespmem:v0+s21+$0x30 ss:$0x1], $0xffff;
	[tilespmem:s22+$0xFFFFFFD0] =	vst v5  }
0x30: {  	v8 =	vld.idx.msk [tilespmem:v0+s21+$0xFFFFFFC0 ss:$0x1], $0xffff;
	[tilespmem:s22+$0xFFFFFFE0] =	vst v4  }
0x31: {  	v5 =	vld.idx.msk [tilespmem:v0+s21+$0xFFFFFFD0 ss:$0x1], $0xffff;
	[tilespmem:s22+$0xFFFFFFF0] =	vst v3  }
.Ltmp3:
0x32: {  	v4 =	vld.idx.msk [tilespmem:v0+s21+$0xFFFFFFE0 ss:$0x1], $0xffff;
	[tilespmem:s22+$0x0] =	vst v1;
	(pc) =	sbr.rel @p0 .LBB1_4-.Ltmp3, $4  }
0x33: {  	v3 =	vld.idx.msk [tilespmem:v0+s21+$0xFFFFFFF0 ss:$0x1], $0xffff;
	[tilespmem:s22+$0x10] =	vst v2  }
0x34: {  	v1 =	vld.idx.msk [tilespmem:v0+s21+$0x0 ss:$0x1], $0xffff;
	[tilespmem:s22+$0x20] =	vst v6;
	s22 =	sadd.s32 $0x800, s22  }
0x35: {  	v2 =	vld.idx.msk [tilespmem:v0+s21+$0x10 ss:$0x1], $0xffff;
	[tilespmem:s22+$0x30] =	vst v7  }
0x36: {  	[tilespmem:s22+$0xFFFFFFC0] =	vst v8;
	v6 =	vld.idx.msk [tilespmem:v0+s21+$0x20 ss:$0x1], $0xffff;
	s21 =	sshra.s32 s23, $0x2;
	s23 =	sadd.s32 $0x200, s23  }
0x37: {  	_ =	sdelay $0x2  }
0x38: {  	[tilespmem:s22+$0xFFFFFFD0] =	vst v5  }
0x39: {  	v56 =	vld.idx.msk [tilespmem:v0+s21+$0x30 ss:$0x1], $0xffff;
	[tilespmem:s22+$0xFFFFFFE0] =	vst v4  }
0x3a: {  	v57 =	vld.idx.msk [tilespmem:v0+s21+$0xFFFFFFC0 ss:$0x1], $0xffff;
	[tilespmem:s22+$0xFFFFFFF0] =	vst v3  }
0x3b: {  	v58 =	vld.idx.msk [tilespmem:v0+s21+$0xFFFFFFD0 ss:$0x1], $0xffff;
	[tilespmem:s22+$0x0] =	vst v1  }
0x3c: {  	v59 =	vld.idx.msk [tilespmem:v0+s21+$0xFFFFFFE0 ss:$0x1], $0xffff;
	[tilespmem:s22+$0x10] =	vst v2  }
0x3d: {  	v60 =	vld.idx.msk [tilespmem:v0+s21+$0xFFFFFFF0 ss:$0x1], $0xffff;
	s31 =	sadd.s32 $0x800, s22;
	[tilespmem:s22+$0x20] =	vst v6  }
0x3e: {  	v61 =	vld.idx.msk [tilespmem:v0+s21+$0x0 ss:$0x1], $0xffff;
	[tilespmem:s31+$0x30] =	vst v56  }
0x3f: {  	v62 =	vld.idx.msk [tilespmem:v0+s21+$0x10 ss:$0x1], $0xffff;
	s20 =	sadd.s32 $0x1, s20;
	[tilespmem:s31+$0xFFFFFFC0] =	vst v57  }
0x40: {  	v63 =	vld.idx.msk [tilespmem:v0+s21+$0x20 ss:$0x1], $0xffff;
	p0 =	sne.s32 s20, $0x10;
	[tilespmem:s31+$0xFFFFFFD0] =	vst v58  }
.Ltmp4:
0x41: {  	[tilespmem:s31+$0xFFFFFFE0] =	vst v59;
	(pc) =	sbr.rel @p0 .LBB1_3-.Ltmp4, $4  }
0x42: {  	[tilespmem:s31+$0xFFFFFFF0] =	vst v60  }
0x43: {  	[tilespmem:s31+$0x0] =	vst v61  }
0x44: {  	[tilespmem:s31+$0x10] =	vst v62  }
0x45: {  	s18 =	sadd.s32 $0x80, s18;
	s19 =	sadd.s32 $0x400, s19;
	[tilespmem:s31+$0x20] =	vst v63  }
0x46: {  	s15 =	sand.u32 $0x1FFFFFF, s15  }
0x47: {  	s18 =	smulhi.u32 $0x1A36E2F, s15;
	_ =	sdelay $0x1  }
0x48: {  	s16 =	smul.u32 $0x138800, s16;
	s18 =	sshrl.u32 s18, $0x6  }
0x49: {  	s18 =	smul.u32 $0x2710, s18  }
.Ltmp5:
0x4a: {  	_ = 	snop;
	(pc) =	sbr.rel .LBB1_7-.Ltmp5, $4  }
0x4b: {  	s15 =	ssub.s32 s15, s18  }
0x4c: {  	s16 =	sadd.s32 s7, s16;
	s15 =	sshll.u32 s15, $0x4  }
0x4d: {  	s15 =	sadd.s32 s15, s16  }
0x4e: {  	[hbm4b:s15+s9] =	stream.strided.scatter [tilespmem:s17], [sflag:$0x2], $0x4000, s10, s9, $0x38;
	[tilespmem:$0x10000] =	vst v63  }
.LBB1_8:
0x4f: {  	_ =	sfence.sel $0x180000  }
0x50: {  	s1 =	simm.s32 $0x1;
	[bflag:$0x0] =	sbarrier.arrive $0xFFFF  }
0x51: {  	s31 =	simm.s32 $0x2;
	[sflag:s1] =	ssyncpa.u1 $0x1  }
0x52: {  	[sflag:s31] =	ssyncpa.u1 $0x1  }
0x53: {  	p0 =	sne.s32 s0, $0x0;
	_ =	strace $0x90000047  }
0x54: {  	s0 =	sadd.s32 @!p0 $0x100000, s4;
	[bflag:$0x2] =	sbarrier.arrive $0xFFFF  }
0x55: {  	[sflag:s0] =	ssyncadd.tile.s32 @!p0 $0x1;
	_ =	shalt  }
.Lfunc_end1:
_tile_overlayer_lowered:
.L_overlay_start_2:
0x56: {  	(tag) =	ssettag $0x2  }
0x57: {  	s0 =	rddreg [dreg:$0x0];
	s2 =	stileid.u32  }
0x58: {  	s1 =	rddreg [dreg:$0x1];
	p0 =	sne.s32 s2, $0x0  }
0x59: {  	s3 =	rddreg [dreg:$0x2];
	[bflag:$0x3] =	sbarrier.arrive $0xFFFF;
	s2 =	simm.s32 @!p0 $0x1C01  }
0x5a: {  	[timem:s3], [sflag:s2] =	dma.local @!p0 [hbm:s0], s1  }
0x5b: {  	s0 =	simm.s32 @!p0 $0x1  }
0x5c: {  	_ =	swait.ge @!p0 [sflag:s0], s1  }
0x5d: {  	s1 =	ssub.s32 @!p0 $0x0, s1;
	[sflag:s0] =	ssyncset.done @!p0 $0x0  }
0x5e: {  	[sflag:s0] =	ssyncadd.s32 @!p0 s1  }
0x5f: {  	[bflag:$0x3] =	sbarrier.arrive $0xFFFF  }
0x60: {  	_ =	shalt  }

</sc_bundles>
